<compile_context>
chip_gen: v7x
topology: tpu7x:2x2x1
jax: 0.10.2.dev20260603
libtpu: 0.0.44.dev20260713+nightly
codegen_flags: <defaults>
</compile_context>

<pallas_src>
import functools

import jax
import jax.numpy as jnp
from jax import lax
from jax.experimental import pallas as pl
from jax.experimental.pallas import tpu as pltpu
from jax.experimental.pallas import tpu_sc as plsc

N = 10000
E = 320000
IN_D = 128
HID = 64
OUT_D = 2
K0 = 72
K1 = 16
NC = 2
NS = 16
NW = NC * NS
EPW = E // NW
CH = 200
NCHUNK = EPW // CH
RPT = 624
RTAIL = N - NS * RPT
R = 1000
G = N // R


def _sc_scatter(K, stage_p=False):
    mesh = plsc.VectorSubcoreMesh(core_axis_name="c", subcore_axis_name="s")

    scratch = [
        pltpu.VMEM((NCHUNK, CH), jnp.int32),
        pltpu.VMEM((NCHUNK, CH), jnp.int32),
        pltpu.VMEM((2, CH, K), jnp.float32),
        pltpu.VMEM_SHARED((N, K), jnp.float32),
        [pltpu.SemaphoreType.DMA] * 2,
        [pltpu.SemaphoreType.DMA] * 2,
    ]
    if stage_p:
        scratch.append(pltpu.VMEM_SHARED((N, K), jnp.float32))

    @functools.partial(
        pl.kernel,
        out_type=jax.ShapeDtypeStruct((NC, N, K), jnp.float32),
        mesh=mesh,
        scratch_types=scratch,
        compiler_params=pltpu.CompilerParams(use_tc_tiling_on_sc=False),
    )
    def k(p_hbm, src_hbm, dst_hbm, zero_hbm, out_hbm, srcs, dsts, rows,
          agg_sh, sem_g, sem_s, *maybe_psh):
        c = lax.axis_index("c")
        s = lax.axis_index("s")
        wid = c * NS + s
        row0 = s * RPT
        pltpu.sync_copy(zero_hbm.at[pl.ds(row0, RPT)],
                        agg_sh.at[pl.ds(row0, RPT)])
        @pl.when(s == 0)
        def _():
            pltpu.sync_copy(zero_hbm.at[pl.ds(NS * RPT, RTAIL)],
                            agg_sh.at[pl.ds(NS * RPT, RTAIL)])
        if stage_p:
            p_src = maybe_psh[0]
            pltpu.sync_copy(p_hbm.at[pl.ds(row0, RPT)],
                            p_src.at[pl.ds(row0, RPT)])
            @pl.when(s == 0)
            def _():
                pltpu.sync_copy(p_hbm.at[pl.ds(NS * RPT, RTAIL)],
                                p_src.at[pl.ds(NS * RPT, RTAIL)])
        else:
            p_src = p_hbm
        pltpu.sync_copy(src_hbm.at[wid], srcs)
        pltpu.sync_copy(dst_hbm.at[wid], dsts)
        plsc.subcore_barrier()

        def issue_g(i, b):
            pltpu.async_copy(p_src.at[srcs.at[i]], rows.at[b], sem_g[b])

        def wait_g(b):
            pltpu.make_async_copy(p_src.at[srcs.at[0]], rows.at[b],
                                  sem_g[b]).wait()

        def issue_s(i, b):
            pltpu.async_copy(rows.at[b], agg_sh.at[dsts.at[i]], sem_s[b],
                             add=True)

        def wait_s(b):
            pltpu.make_async_copy(rows.at[b], agg_sh.at[dsts.at[0]],
                                  sem_s[b]).wait()

        issue_g(0, 0)
        issue_g(1, 1)
        wait_g(0)
        issue_s(0, 0)

        def body(j, carry):
            for t in (0, 1):
                i = 2 * j + 1 + t
                b = 1 - t
                wait_g(b)
                issue_s(i, b)
                wait_s(1 - b)
                issue_g(i + 1, 1 - b)
            return carry

        lax.fori_loop(0, (NCHUNK - 2) // 2, body, 0)
        wait_g(1)
        issue_s(NCHUNK - 1, 1)
        wait_s(0)
        wait_s(1)
        plsc.subcore_barrier()
        pltpu.sync_copy(agg_sh.at[pl.ds(row0, RPT)],
                        out_hbm.at[c].at[pl.ds(row0, RPT)])
        @pl.when(s == 0)
        def _():
            pltpu.sync_copy(agg_sh.at[pl.ds(NS * RPT, RTAIL)],
                            out_hbm.at[c].at[pl.ds(NS * RPT, RTAIL)])

    return k


def _tc1(x, wd, wp, bd, bp):
    def body(x_ref, wd_ref, wp_ref, bd_ref, bp_ref, d_ref, p_ref):
        xb = x_ref[...]
        d_ref[...] = (jnp.dot(xb, wd_ref[...],
                              preferred_element_type=jnp.float32)
                      + bd_ref[...])
        p_ref[...] = (jnp.dot(xb, wp_ref[...],
                              preferred_element_type=jnp.float32)
                      + bp_ref[...])

    return pl.pallas_call(
        body,
        grid=(G,),
        in_specs=[
            pl.BlockSpec((R, IN_D), lambda i: (i, 0)),
            pl.BlockSpec((IN_D, HID), lambda i: (0, 0)),
            pl.BlockSpec((IN_D, K0), lambda i: (0, 0)),
            pl.BlockSpec((1, HID), lambda i: (0, 0)),
            pl.BlockSpec((1, K0), lambda i: (0, 0)),
        ],
        out_specs=[
            pl.BlockSpec((R, HID), lambda i: (i, 0)),
            pl.BlockSpec((R, K0), lambda i: (i, 0)),
        ],
        out_shape=[
            jax.ShapeDtypeStruct((N, HID), jnp.float32),
            jax.ShapeDtypeStruct((N, K0), jnp.float32),
        ],
    )(x, wd, wp, bd, bp)


def _tc2(d0, agg0p, w2l, b2, w2rp):
    def body(d_ref, a_ref, wl_ref, b2_ref, wr_ref, d2_ref, q_ref, rc_ref):
        t = a_ref[...]
        a = t[0] + t[1]
        cnt = a[:, HID:HID + 1]
        rc = 1.0 / jnp.maximum(cnt, 1.0)
        h = jnp.maximum(d_ref[...] + a[:, :HID] * rc, 0.0)
        d2_ref[...] = (jnp.dot(h, wl_ref[...],
                               preferred_element_type=jnp.float32)
                       + b2_ref[...])
        q_ref[...] = jnp.dot(h, wr_ref[...],
                             preferred_element_type=jnp.float32)
        rc_ref[...] = jnp.broadcast_to(rc, (R, K1))

    return pl.pallas_call(
        body,
        grid=(G,),
        in_specs=[
            pl.BlockSpec((R, HID), lambda i: (i, 0)),
            pl.BlockSpec((NC, R, K0), lambda i: (0, i, 0)),
            pl.BlockSpec((HID, OUT_D), lambda i: (0, 0)),
            pl.BlockSpec((1, OUT_D), lambda i: (0, 0)),
            pl.BlockSpec((HID, K1), lambda i: (0, 0)),
        ],
        out_specs=[
            pl.BlockSpec((R, OUT_D), lambda i: (i, 0)),
            pl.BlockSpec((R, K1), lambda i: (i, 0)),
            pl.BlockSpec((R, K1), lambda i: (i, 0)),
        ],
        out_shape=[
            jax.ShapeDtypeStruct((N, OUT_D), jnp.float32),
            jax.ShapeDtypeStruct((N, K1), jnp.float32),
            jax.ShapeDtypeStruct((N, K1), jnp.float32),
        ],
    )(d0, agg0p, w2l, b2, w2rp)


def _tc3(d2, agg1p, rc16):
    def body(d2_ref, a_ref, rc_ref, o_ref):
        t = a_ref[...]
        a = t[0] + t[1]
        o_ref[...] = d2_ref[...] + a[:, :OUT_D] * rc_ref[...][:, :OUT_D]

    return pl.pallas_call(
        body,
        grid=(G,),
        in_specs=[
            pl.BlockSpec((R, OUT_D), lambda i: (i, 0)),
            pl.BlockSpec((NC, R, K1), lambda i: (0, i, 0)),
            pl.BlockSpec((R, K1), lambda i: (i, 0)),
        ],
        out_specs=pl.BlockSpec((R, OUT_D), lambda i: (i, 0)),
        out_shape=jax.ShapeDtypeStruct((N, OUT_D), jnp.float32),
    )(d2, agg1p, rc16)


def kernel(x, edge_index, W1, b1, W2, b2):
    src = edge_index[0]
    dst = edge_index[1]
    wd = W1[:, :IN_D].T
    w1r = W1[:, IN_D:].T
    wp = jnp.concatenate(
        [w1r, jnp.zeros((IN_D, K0 - HID), jnp.float32)], axis=1)
    bd = b1.reshape(1, HID)
    bp = jnp.zeros((1, K0), jnp.float32).at[0, HID].set(1.0)
    w2l = W2[:, :HID].T
    w2r = W2[:, HID:].T
    w2rp = jnp.concatenate(
        [w2r, jnp.zeros((HID, K1 - OUT_D), jnp.float32)], axis=1)
    b2r = b2.reshape(1, OUT_D)
    zeros0 = jnp.zeros((N, K0), jnp.float32)
    zeros1 = jnp.zeros((N, K1), jnp.float32)

    src3 = src.reshape(NW, NCHUNK, CH)
    dst3 = dst.reshape(NW, NCHUNK, CH)

    d0, p0p = _tc1(x, wd, wp, bd, bp)
    agg0p = _sc_scatter(K0)(p0p, src3, dst3, zeros0)
    d2, q1p, rc16 = _tc2(d0, agg0p, w2l, b2r, w2rp)
    agg1p = _sc_scatter(K1, stage_p=True)(q1p, src3, dst3, zeros1)
    return _tc3(d2, agg1p, rc16)

# --- scband reference (transcript-rebuilt; emitter-appended) ---
"""Pipeline reference for scband-action-net-1915555414503 (READ-ONLY COPY).

The authoritative reference and input builder live on the scoring server;
editing this copy changes nothing except your own understanding.
"""

import jax, jax.numpy as jnp
import numpy as np

N_NODES = 10000
N_EDGES = 320000
IN_DIM = 128
HID_DIM = 64
OUT_DIM = 2

def setup_inputs(seed: int = 0) -> dict:
    key = jax.random.key(seed)
    k1, k2, k3, k4, k5, k6 = jax.random.split(key, 6)
    x = jax.random.normal(k1, (N_NODES, IN_DIM), dtype=jnp.float32)
    edge_index = jax.random.randint(k2, (2, N_EDGES), 0, N_NODES, dtype=jnp.int32)
    # Layer 0: Linear(2*IN_DIM -> HID_DIM)
    W1 = jax.random.normal(k3, (HID_DIM, 2 * IN_DIM), dtype=jnp.float32) * (1.0 / np.sqrt(2 * IN_DIM))
    b1 = jax.random.normal(k4, (HID_DIM,), dtype=jnp.float32) * 0.01
    # Layer 1: Linear(2*HID_DIM -> OUT_DIM)
    W2 = jax.random.normal(k5, (OUT_DIM, 2 * HID_DIM), dtype=jnp.float32) * (1.0 / np.sqrt(2 * HID_DIM))
    b2 = jax.random.normal(k6, (OUT_DIM,), dtype=jnp.float32) * 0.01
    return {"x": x, "edge_index": edge_index, "W1": W1, "b1": b1, "W2": W2, "b2": b2}

def _weighted_gnn_conv(h, src, dst, n_nodes, cnt, W, b):
    # message: x_j (edge_attr is None, edge_weight is None)
    msg = h[src]
    # aggr='mean': segment_sum / clamped counts
    agg = jax.ops.segment_sum(msg, dst, num_segments=n_nodes)
    agg = agg / cnt[:, None]
    # lin(cat(x, out))
    return jnp.concatenate([h, agg], axis=-1) @ W.T + b

def reference(x, edge_index, W1, b1, W2, b2):
    src = edge_index[0]
    dst = edge_index[1]
    n_nodes = x.shape[0]
    cnt = jnp.clip(jnp.bincount(dst, length=n_nodes).astype(x.dtype), 1.0)
    # layer 0 + dropout(eval=identity) + relu
    h = _weighted_gnn_conv(x, src, dst, n_nodes, cnt, W1, b1)
    h = jax.nn.relu(h)
    # layer 1 (last layer: no activation)
    out = _weighted_gnn_conv(h, src, dst, n_nodes, cnt, W2, b2)
    return out

if __name__ == "__main__":
    import jax
    _d = setup_inputs()
    print(jax.jit(kernel)(*tuple(_d.values())))

</pallas_src>

<mosaic_0001>
#map = affine_map<(d0, d1) -> (0, 0)>
#map1 = affine_map<(d0, d1) -> (0, 0, 0)>
module attributes {stable_mosaic.version = 14 : i64} {
  func.func @k(%arg0: i32, %arg1: i32, %arg2: memref<10000x72xf32, #tpu.memory_space<hbm>>, %arg3: memref<32x50x200xi32, #tpu.memory_space<hbm>>, %arg4: memref<32x50x200xi32, #tpu.memory_space<hbm>>, %arg5: memref<10000x72xf32, #tpu.memory_space<hbm>>, %arg6: memref<2x10000x72xf32, #tpu.memory_space<hbm>>, %arg7: memref<50x200xi32, #tpu.memory_space<vmem>>, %arg8: memref<50x200xi32, #tpu.memory_space<vmem>>, %arg9: memref<2x200x72xf32, #tpu.memory_space<vmem>>, %arg10: memref<10000x72xf32, #tpu.memory_space<vmem_shared>>, %arg11: memref<!tpu.dma_semaphore, #tpu.memory_space<semaphore_mem>>, %arg12: memref<!tpu.dma_semaphore, #tpu.memory_space<semaphore_mem>>, %arg13: memref<!tpu.dma_semaphore, #tpu.memory_space<semaphore_mem>>, %arg14: memref<!tpu.dma_semaphore, #tpu.memory_space<semaphore_mem>>) attributes {dimension_semantics = [#tpu.dimension_semantics<core_parallel>, #tpu.dimension_semantics<subcore_parallel>], iteration_bounds = array<i64: 2, 16>, scalar_prefetch = 0 : i64, scratch_operands = 8 : i64, tpu.core_type = #tpu.core_type<sc_vector_subcore>, window_params = [{transform_indices = #map}, {transform_indices = #map1}, {transform_indices = #map1}, {transform_indices = #map}, {transform_indices = #map1}]} {
    %mul3A = arith.constant 16 : i32
    %mul3A_0 = arith.muli %arg0, %mul3A : i32
    %add3A = arith.addi %mul3A_0, %arg1 : i32
    %mul3A_1 = arith.constant 624 : i32
    %mul3A_2 = arith.muli %arg1, %mul3A_1 : i32
    "tpu.region"() ({
      %run_scoped3A = tpu.sem_alloc : memref<!tpu.dma_semaphore, #tpu.memory_space<semaphore_mem>>
      %dma_start3A_110 = arith.constant 0 : i32
      %dma_start3A_111 = tpu.memref_slice %arg10[%mul3A_2, %dma_start3A_110] : memref<10000x72xf32, #tpu.memory_space<vmem_shared>> -> memref<624x72xf32, #tpu.memory_space<vmem_shared>>
      %dma_start3A_112 = arith.constant 0 : i32
      %dma_start3A_113 = tpu.memref_slice %arg5[%mul3A_2, %dma_start3A_112] : memref<10000x72xf32, #tpu.memory_space<hbm>> -> memref<624x72xf32, #tpu.memory_space<hbm>>
      tpu.enqueue_dma source(%dma_start3A_113 : memref<624x72xf32, #tpu.memory_space<hbm>>) target(%dma_start3A_111 : memref<624x72xf32, #tpu.memory_space<vmem_shared>>) target_semaphore(%run_scoped3A : memref<!tpu.dma_semaphore, #tpu.memory_space<semaphore_mem>>)
      %dma_wait3A_114 = arith.constant 0 : i32
      %dma_wait3A_115 = tpu.memref_slice %arg10[%mul3A_2, %dma_wait3A_114] : memref<10000x72xf32, #tpu.memory_space<vmem_shared>> -> memref<624x72xf32, #tpu.memory_space<vmem_shared>>
      %dma_wait3A_116 = arith.constant 0 : i32
      %dma_wait3A_117 = tpu.memref_slice %arg5[%mul3A_2, %dma_wait3A_116] : memref<10000x72xf32, #tpu.memory_space<hbm>> -> memref<624x72xf32, #tpu.memory_space<hbm>>
      tpu.wait_dma2 semaphore(%run_scoped3A : memref<!tpu.dma_semaphore, #tpu.memory_space<semaphore_mem>>) src(%dma_wait3A_117 : memref<624x72xf32, #tpu.memory_space<hbm>>) dst(%dma_wait3A_115 : memref<624x72xf32, #tpu.memory_space<vmem_shared>>)
      tpu.yield
    }) : () -> ()
    %eq3A = arith.constant 0 : i32
    %eq3A_3 = arith.cmpi eq, %arg1, %eq3A : i32
    %convert_element_type3A = arith.extui %eq3A_3 : i1 to i32
    %cond3A = arith.constant 0 : i32
    %cond3A_4 = arith.cmpi ne, %convert_element_type3A, %cond3A : i32
    scf.if %cond3A_4 {
      "tpu.region"() ({
        %run_scoped3A = tpu.sem_alloc : memref<!tpu.dma_semaphore, #tpu.memory_space<semaphore_mem>>
        %dma_start3A_110 = arith.constant 9984 : i32
        %dma_start3A_111 = arith.constant 0 : i32
        %dma_start3A_112 = tpu.memref_slice %arg10[%dma_start3A_110, %dma_start3A_111] : memref<10000x72xf32, #tpu.memory_space<vmem_shared>> -> memref<16x72xf32, #tpu.memory_space<vmem_shared>>
        %dma_start3A_113 = arith.constant 9984 : i32
        %dma_start3A_114 = arith.constant 0 : i32
        %dma_start3A_115 = tpu.memref_slice %arg5[%dma_start3A_113, %dma_start3A_114] : memref<10000x72xf32, #tpu.memory_space<hbm>> -> memref<16x72xf32, #tpu.memory_space<hbm>>
        tpu.enqueue_dma source(%dma_start3A_115 : memref<16x72xf32, #tpu.memory_space<hbm>>) target(%dma_start3A_112 : memref<16x72xf32, #tpu.memory_space<vmem_shared>>) target_semaphore(%run_scoped3A : memref<!tpu.dma_semaphore, #tpu.memory_space<semaphore_mem>>)
        %dma_wait3A_116 = arith.constant 9984 : i32
        %dma_wait3A_117 = arith.constant 0 : i32
        %dma_wait3A_118 = tpu.memref_slice %arg10[%dma_wait3A_116, %dma_wait3A_117] : memref<10000x72xf32, #tpu.memory_space<vmem_shared>> -> memref<16x72xf32, #tpu.memory_space<vmem_shared>>
        %dma_wait3A_119 = arith.constant 9984 : i32
        %dma_wait3A_120 = arith.constant 0 : i32
        %dma_wait3A_121 = tpu.memref_slice %arg5[%dma_wait3A_119, %dma_wait3A_120] : memref<10000x72xf32, #tpu.memory_space<hbm>> -> memref<16x72xf32, #tpu.memory_space<hbm>>
        tpu.wait_dma2 semaphore(%run_scoped3A : memref<!tpu.dma_semaphore, #tpu.memory_space<semaphore_mem>>) src(%dma_wait3A_121 : memref<16x72xf32, #tpu.memory_space<hbm>>) dst(%dma_wait3A_118 : memref<16x72xf32, #tpu.memory_space<vmem_shared>>)
        tpu.yield
      }) : () -> ()
    } else {
    }
    "tpu.region"() ({
      %run_scoped3A = tpu.sem_alloc : memref<!tpu.dma_semaphore, #tpu.memory_space<semaphore_mem>>
      %dma_start3A_110 = arith.constant 0 : i32
      %dma_start3A_111 = arith.constant 0 : i32
      %dma_start3A_112 = tpu.memref_slice %arg3[%add3A, %dma_start3A_110, %dma_start3A_111] : memref<32x50x200xi32, #tpu.memory_space<hbm>> -> memref<1x50x200xi32, #tpu.memory_space<hbm>>
      %dma_start3A_113 = tpu.memref_squeeze %dma_start3A_112 : memref<1x50x200xi32, #tpu.memory_space<hbm>> -> memref<50x200xi32, #tpu.memory_space<hbm>>
      %dma_start3A_114 = arith.constant 0 : i32
      %dma_start3A_115 = arith.constant 0 : i32
      %dma_start3A_116 = tpu.memref_slice %arg3[%add3A, %dma_start3A_114, %dma_start3A_115] : memref<32x50x200xi32, #tpu.memory_space<hbm>> -> memref<1x50x200xi32, #tpu.memory_space<hbm>>
      %dma_start3A_117 = tpu.memref_squeeze %dma_start3A_116 : memref<1x50x200xi32, #tpu.memory_space<hbm>> -> memref<50x200xi32, #tpu.memory_space<hbm>>
      tpu.enqueue_dma source(%dma_start3A_117 : memref<50x200xi32, #tpu.memory_space<hbm>>) target(%arg7 : memref<50x200xi32, #tpu.memory_space<vmem>>) target_semaphore(%run_scoped3A : memref<!tpu.dma_semaphore, #tpu.memory_space<semaphore_mem>>)
      %dma_wait3A_118 = arith.constant 0 : i32
      %dma_wait3A_119 = arith.constant 0 : i32
      %dma_wait3A_120 = tpu.memref_slice %arg3[%add3A, %dma_wait3A_118, %dma_wait3A_119] : memref<32x50x200xi32, #tpu.memory_space<hbm>> -> memref<1x50x200xi32, #tpu.memory_space<hbm>>
      %dma_wait3A_121 = tpu.memref_squeeze %dma_wait3A_120 : memref<1x50x200xi32, #tpu.memory_space<hbm>> -> memref<50x200xi32, #tpu.memory_space<hbm>>
      %dma_wait3A_122 = arith.constant 0 : i32
      %dma_wait3A_123 = arith.constant 0 : i32
      %dma_wait3A_124 = tpu.memref_slice %arg3[%add3A, %dma_wait3A_122, %dma_wait3A_123] : memref<32x50x200xi32, #tpu.memory_space<hbm>> -> memref<1x50x200xi32, #tpu.memory_space<hbm>>
      %dma_wait3A_125 = tpu.memref_squeeze %dma_wait3A_124 : memref<1x50x200xi32, #tpu.memory_space<hbm>> -> memref<50x200xi32, #tpu.memory_space<hbm>>
      tpu.wait_dma2 semaphore(%run_scoped3A : memref<!tpu.dma_semaphore, #tpu.memory_space<semaphore_mem>>) src(%dma_wait3A_125 : memref<50x200xi32, #tpu.memory_space<hbm>>) dst(%arg7 : memref<50x200xi32, #tpu.memory_space<vmem>>)
      tpu.yield
    }) : () -> ()
    "tpu.region"() ({
      %run_scoped3A = tpu.sem_alloc : memref<!tpu.dma_semaphore, #tpu.memory_space<semaphore_mem>>
      %dma_start3A_110 = arith.constant 0 : i32
      %dma_start3A_111 = arith.constant 0 : i32
      %dma_start3A_112 = tpu.memref_slice %arg4[%add3A, %dma_start3A_110, %dma_start3A_111] : memref<32x50x200xi32, #tpu.memory_space<hbm>> -> memref<1x50x200xi32, #tpu.memory_space<hbm>>
      %dma_start3A_113 = tpu.memref_squeeze %dma_start3A_112 : memref<1x50x200xi32, #tpu.memory_space<hbm>> -> memref<50x200xi32, #tpu.memory_space<hbm>>
      %dma_start3A_114 = arith.constant 0 : i32
      %dma_start3A_115 = arith.constant 0 : i32
      %dma_start3A_116 = tpu.memref_slice %arg4[%add3A, %dma_start3A_114, %dma_start3A_115] : memref<32x50x200xi32, #tpu.memory_space<hbm>> -> memref<1x50x200xi32, #tpu.memory_space<hbm>>
      %dma_start3A_117 = tpu.memref_squeeze %dma_start3A_116 : memref<1x50x200xi32, #tpu.memory_space<hbm>> -> memref<50x200xi32, #tpu.memory_space<hbm>>
      tpu.enqueue_dma source(%dma_start3A_117 : memref<50x200xi32, #tpu.memory_space<hbm>>) target(%arg8 : memref<50x200xi32, #tpu.memory_space<vmem>>) target_semaphore(%run_scoped3A : memref<!tpu.dma_semaphore, #tpu.memory_space<semaphore_mem>>)
      %dma_wait3A_118 = arith.constant 0 : i32
      %dma_wait3A_119 = arith.constant 0 : i32
      %dma_wait3A_120 = tpu.memref_slice %arg4[%add3A, %dma_wait3A_118, %dma_wait3A_119] : memref<32x50x200xi32, #tpu.memory_space<hbm>> -> memref<1x50x200xi32, #tpu.memory_space<hbm>>
      %dma_wait3A_121 = tpu.memref_squeeze %dma_wait3A_120 : memref<1x50x200xi32, #tpu.memory_space<hbm>> -> memref<50x200xi32, #tpu.memory_space<hbm>>
      %dma_wait3A_122 = arith.constant 0 : i32
      %dma_wait3A_123 = arith.constant 0 : i32
      %dma_wait3A_124 = tpu.memref_slice %arg4[%add3A, %dma_wait3A_122, %dma_wait3A_123] : memref<32x50x200xi32, #tpu.memory_space<hbm>> -> memref<1x50x200xi32, #tpu.memory_space<hbm>>
      %dma_wait3A_125 = tpu.memref_squeeze %dma_wait3A_124 : memref<1x50x200xi32, #tpu.memory_space<hbm>> -> memref<50x200xi32, #tpu.memory_space<hbm>>
      tpu.wait_dma2 semaphore(%run_scoped3A : memref<!tpu.dma_semaphore, #tpu.memory_space<semaphore_mem>>) src(%dma_wait3A_125 : memref<50x200xi32, #tpu.memory_space<hbm>>) dst(%arg8 : memref<50x200xi32, #tpu.memory_space<vmem>>)
      tpu.yield
    }) : () -> ()
    %barrier3A = arith.constant 0 : index
    tpu.barrier barrier_id(%barrier3A)
    %dma_start3A = arith.constant 0 : i32
    %dma_start3A_5 = arith.constant 0 : i32
    %dma_start3A_6 = arith.constant 0 : i32
    %dma_start3A_7 = arith.constant 0 : i32
    %dma_start3A_8 = tpu.memref_slice %arg9[%dma_start3A_5, %dma_start3A_6, %dma_start3A_7] : memref<2x200x72xf32, #tpu.memory_space<vmem>> -> memref<1x200x72xf32, #tpu.memory_space<vmem>>
    %dma_start3A_9 = tpu.memref_squeeze %dma_start3A_8 : memref<1x200x72xf32, #tpu.memory_space<vmem>> -> memref<200x72xf32, #tpu.memory_space<vmem>>
    %dma_start3A_10 = arith.constant 0 : i32
    %dma_start3A_11 = tpu.memref_slice %arg7[%dma_start3A, %dma_start3A_10] : memref<50x200xi32, #tpu.memory_space<vmem>> -> memref<1x200xi32, #tpu.memory_space<vmem>>
    %dma_start3A_12 = tpu.memref_squeeze %dma_start3A_11 : memref<1x200xi32, #tpu.memory_space<vmem>> -> memref<200xi32, #tpu.memory_space<vmem>>
    %dma_start3A_13 = arith.constant 0 : i32
    %dma_start3A_14 = arith.constant 0 : i32
    %dma_start3A_15 = tpu.memref_slice %arg2[%dma_start3A_13, %dma_start3A_14] : memref<10000x72xf32, #tpu.memory_space<hbm>> -> memref<10000x72xf32, #tpu.memory_space<hbm>>
    tpu.enqueue_indirect_dma source(%dma_start3A_15 : memref<10000x72xf32, #tpu.memory_space<hbm>>) target(%dma_start3A_9 : memref<200x72xf32, #tpu.memory_space<vmem>>) offsets(%dma_start3A_12 : memref<200xi32, #tpu.memory_space<vmem>>) semaphore(%arg11 : memref<!tpu.dma_semaphore, #tpu.memory_space<semaphore_mem>>)
    %dma_start3A_16 = arith.constant 1 : i32
    %dma_start3A_17 = arith.constant 1 : i32
    %dma_start3A_18 = arith.constant 0 : i32
    %dma_start3A_19 = arith.constant 0 : i32
    %dma_start3A_20 = tpu.memref_slice %arg9[%dma_start3A_17, %dma_start3A_18, %dma_start3A_19] : memref<2x200x72xf32, #tpu.memory_space<vmem>> -> memref<1x200x72xf32, #tpu.memory_space<vmem>>
    %dma_start3A_21 = tpu.memref_squeeze %dma_start3A_20 : memref<1x200x72xf32, #tpu.memory_space<vmem>> -> memref<200x72xf32, #tpu.memory_space<vmem>>
    %dma_start3A_22 = arith.constant 0 : i32
    %dma_start3A_23 = tpu.memref_slice %arg7[%dma_start3A_16, %dma_start3A_22] : memref<50x200xi32, #tpu.memory_space<vmem>> -> memref<1x200xi32, #tpu.memory_space<vmem>>
    %dma_start3A_24 = tpu.memref_squeeze %dma_start3A_23 : memref<1x200xi32, #tpu.memory_space<vmem>> -> memref<200xi32, #tpu.memory_space<vmem>>
    %dma_start3A_25 = arith.constant 0 : i32
    %dma_start3A_26 = arith.constant 0 : i32
    %dma_start3A_27 = tpu.memref_slice %arg2[%dma_start3A_25, %dma_start3A_26] : memref<10000x72xf32, #tpu.memory_space<hbm>> -> memref<10000x72xf32, #tpu.memory_space<hbm>>
    tpu.enqueue_indirect_dma source(%dma_start3A_27 : memref<10000x72xf32, #tpu.memory_space<hbm>>) target(%dma_start3A_21 : memref<200x72xf32, #tpu.memory_space<vmem>>) offsets(%dma_start3A_24 : memref<200xi32, #tpu.memory_space<vmem>>) semaphore(%arg12 : memref<!tpu.dma_semaphore, #tpu.memory_space<semaphore_mem>>)
    %dma_wait3A = arith.constant 0 : i32
    %dma_wait3A_28 = arith.constant 0 : i32
    %dma_wait3A_29 = arith.constant 0 : i32
    %dma_wait3A_30 = arith.constant 0 : i32
    %dma_wait3A_31 = tpu.memref_slice %arg9[%dma_wait3A_28, %dma_wait3A_29, %dma_wait3A_30] : memref<2x200x72xf32, #tpu.memory_space<vmem>> -> memref<1x200x72xf32, #tpu.memory_space<vmem>>
    %dma_wait3A_32 = tpu.memref_squeeze %dma_wait3A_31 : memref<1x200x72xf32, #tpu.memory_space<vmem>> -> memref<200x72xf32, #tpu.memory_space<vmem>>
    %dma_wait3A_33 = arith.constant 0 : i32
    %dma_wait3A_34 = tpu.memref_slice %arg7[%dma_wait3A, %dma_wait3A_33] : memref<50x200xi32, #tpu.memory_space<vmem>> -> memref<1x200xi32, #tpu.memory_space<vmem>>
    %dma_wait3A_35 = tpu.memref_squeeze %dma_wait3A_34 : memref<1x200xi32, #tpu.memory_space<vmem>> -> memref<200xi32, #tpu.memory_space<vmem>>
    %dma_wait3A_36 = arith.constant 0 : i32
    %dma_wait3A_37 = arith.constant 0 : i32
    %dma_wait3A_38 = tpu.memref_slice %arg2[%dma_wait3A_36, %dma_wait3A_37] : memref<10000x72xf32, #tpu.memory_space<hbm>> -> memref<10000x72xf32, #tpu.memory_space<hbm>>
    tpu.wait_indirect_dma semaphore(%arg11 : memref<!tpu.dma_semaphore, #tpu.memory_space<semaphore_mem>>) src(%dma_wait3A_38 : memref<10000x72xf32, #tpu.memory_space<hbm>>) dst(%dma_wait3A_32 : memref<200x72xf32, #tpu.memory_space<vmem>>)
    %dma_start3A_39 = arith.constant 0 : i32
    %dma_start3A_40 = arith.constant 0 : i32
    %dma_start3A_41 = arith.constant 0 : i32
    %dma_start3A_42 = arith.constant 0 : i32
    %dma_start3A_43 = tpu.memref_slice %arg9[%dma_start3A_39, %dma_start3A_41, %dma_start3A_42] : memref<2x200x72xf32, #tpu.memory_space<vmem>> -> memref<1x200x72xf32, #tpu.memory_space<vmem>>
    %dma_start3A_44 = tpu.memref_squeeze %dma_start3A_43 : memref<1x200x72xf32, #tpu.memory_space<vmem>> -> memref<200x72xf32, #tpu.memory_space<vmem>>
    %dma_start3A_45 = arith.constant 0 : i32
    %dma_start3A_46 = tpu.memref_slice %arg8[%dma_start3A_40, %dma_start3A_45] : memref<50x200xi32, #tpu.memory_space<vmem>> -> memref<1x200xi32, #tpu.memory_space<vmem>>
    %dma_start3A_47 = tpu.memref_squeeze %dma_start3A_46 : memref<1x200xi32, #tpu.memory_space<vmem>> -> memref<200xi32, #tpu.memory_space<vmem>>
    %dma_start3A_48 = arith.constant 0 : i32
    %dma_start3A_49 = arith.constant 0 : i32
    %dma_start3A_50 = tpu.memref_slice %arg10[%dma_start3A_48, %dma_start3A_49] : memref<10000x72xf32, #tpu.memory_space<vmem_shared>> -> memref<10000x72xf32, #tpu.memory_space<vmem_shared>>
    tpu.enqueue_indirect_dma source(%dma_start3A_44 : memref<200x72xf32, #tpu.memory_space<vmem>>) target(%dma_start3A_50 : memref<10000x72xf32, #tpu.memory_space<vmem_shared>>) offsets(%dma_start3A_47 : memref<200xi32, #tpu.memory_space<vmem>>) semaphore(%arg13 : memref<!tpu.dma_semaphore, #tpu.memory_space<semaphore_mem>>) {add = true}
    %scan3A = arith.constant 0 : i32
    %scan3A_51 = arith.constant 0 : i32
    %scan3A_52 = arith.constant 24 : i32
    %scan3A_53 = arith.addi %scan3A_51, %scan3A_52 : i32
    %scan3A_54 = arith.constant 1 : i32
    scf.for %scan3A_110 = %scan3A_51 to %scan3A_53 step %scan3A_54  : i32 {
      %mul3A_111 = arith.constant 2 : i32
      %mul3A_112 = arith.muli %mul3A_111, %scan3A_110 : i32
      %add3A_113 = arith.constant 1 : i32
      %add3A_114 = arith.addi %mul3A_112, %add3A_113 : i32
      %add3A_115 = arith.constant 0 : i32
      %add3A_116 = arith.addi %add3A_114, %add3A_115 : i32
      %dma_wait3A_117 = arith.constant 0 : i32
      %dma_wait3A_118 = arith.constant 1 : i32
      %dma_wait3A_119 = arith.constant 0 : i32
      %dma_wait3A_120 = arith.constant 0 : i32
      %dma_wait3A_121 = tpu.memref_slice %arg9[%dma_wait3A_118, %dma_wait3A_119, %dma_wait3A_120] : memref<2x200x72xf32, #tpu.memory_space<vmem>> -> memref<1x200x72xf32, #tpu.memory_space<vmem>>
      %dma_wait3A_122 = tpu.memref_squeeze %dma_wait3A_121 : memref<1x200x72xf32, #tpu.memory_space<vmem>> -> memref<200x72xf32, #tpu.memory_space<vmem>>
      %dma_wait3A_123 = arith.constant 0 : i32
      %dma_wait3A_124 = tpu.memref_slice %arg7[%dma_wait3A_117, %dma_wait3A_123] : memref<50x200xi32, #tpu.memory_space<vmem>> -> memref<1x200xi32, #tpu.memory_space<vmem>>
      %dma_wait3A_125 = tpu.memref_squeeze %dma_wait3A_124 : memref<1x200xi32, #tpu.memory_space<vmem>> -> memref<200xi32, #tpu.memory_space<vmem>>
      %dma_wait3A_126 = arith.constant 0 : i32
      %dma_wait3A_127 = arith.constant 0 : i32
      %dma_wait3A_128 = tpu.memref_slice %arg2[%dma_wait3A_126, %dma_wait3A_127] : memref<10000x72xf32, #tpu.memory_space<hbm>> -> memref<10000x72xf32, #tpu.memory_space<hbm>>
      tpu.wait_indirect_dma semaphore(%arg12 : memref<!tpu.dma_semaphore, #tpu.memory_space<semaphore_mem>>) src(%dma_wait3A_128 : memref<10000x72xf32, #tpu.memory_space<hbm>>) dst(%dma_wait3A_122 : memref<200x72xf32, #tpu.memory_space<vmem>>)
      %dma_start3A_129 = arith.constant 1 : i32
      %dma_start3A_130 = arith.constant 0 : i32
      %dma_start3A_131 = arith.constant 0 : i32
      %dma_start3A_132 = tpu.memref_slice %arg9[%dma_start3A_129, %dma_start3A_130, %dma_start3A_131] : memref<2x200x72xf32, #tpu.memory_space<vmem>> -> memref<1x200x72xf32, #tpu.memory_space<vmem>>
      %dma_start3A_133 = tpu.memref_squeeze %dma_start3A_132 : memref<1x200x72xf32, #tpu.memory_space<vmem>> -> memref<200x72xf32, #tpu.memory_space<vmem>>
      %dma_start3A_134 = arith.constant 0 : i32
      %dma_start3A_135 = tpu.memref_slice %arg8[%add3A_116, %dma_start3A_134] : memref<50x200xi32, #tpu.memory_space<vmem>> -> memref<1x200xi32, #tpu.memory_space<vmem>>
      %dma_start3A_136 = tpu.memref_squeeze %dma_start3A_135 : memref<1x200xi32, #tpu.memory_space<vmem>> -> memref<200xi32, #tpu.memory_space<vmem>>
      %dma_start3A_137 = arith.constant 0 : i32
      %dma_start3A_138 = arith.constant 0 : i32
      %dma_start3A_139 = tpu.memref_slice %arg10[%dma_start3A_137, %dma_start3A_138] : memref<10000x72xf32, #tpu.memory_space<vmem_shared>> -> memref<10000x72xf32, #tpu.memory_space<vmem_shared>>
      tpu.enqueue_indirect_dma source(%dma_start3A_133 : memref<200x72xf32, #tpu.memory_space<vmem>>) target(%dma_start3A_139 : memref<10000x72xf32, #tpu.memory_space<vmem_shared>>) offsets(%dma_start3A_136 : memref<200xi32, #tpu.memory_space<vmem>>) semaphore(%arg14 : memref<!tpu.dma_semaphore, #tpu.memory_space<semaphore_mem>>) {add = true}
      %dma_wait3A_140 = arith.constant 0 : i32
      %dma_wait3A_141 = arith.constant 0 : i32
      %dma_wait3A_142 = arith.constant 0 : i32
      %dma_wait3A_143 = arith.constant 0 : i32
      %dma_wait3A_144 = tpu.memref_slice %arg9[%dma_wait3A_140, %dma_wait3A_142, %dma_wait3A_143] : memref<2x200x72xf32, #tpu.memory_space<vmem>> -> memref<1x200x72xf32, #tpu.memory_space<vmem>>
      %dma_wait3A_145 = tpu.memref_squeeze %dma_wait3A_144 : memref<1x200x72xf32, #tpu.memory_space<vmem>> -> memref<200x72xf32, #tpu.memory_space<vmem>>
      %dma_wait3A_146 = arith.constant 0 : i32
      %dma_wait3A_147 = tpu.memref_slice %arg8[%dma_wait3A_141, %dma_wait3A_146] : memref<50x200xi32, #tpu.memory_space<vmem>> -> memref<1x200xi32, #tpu.memory_space<vmem>>
      %dma_wait3A_148 = tpu.memref_squeeze %dma_wait3A_147 : memref<1x200xi32, #tpu.memory_space<vmem>> -> memref<200xi32, #tpu.memory_space<vmem>>
      %dma_wait3A_149 = arith.constant 0 : i32
      %dma_wait3A_150 = arith.constant 0 : i32
      %dma_wait3A_151 = tpu.memref_slice %arg10[%dma_wait3A_149, %dma_wait3A_150] : memref<10000x72xf32, #tpu.memory_space<vmem_shared>> -> memref<10000x72xf32, #tpu.memory_space<vmem_shared>>
      tpu.wait_indirect_dma semaphore(%arg13 : memref<!tpu.dma_semaphore, #tpu.memory_space<semaphore_mem>>) src(%dma_wait3A_145 : memref<200x72xf32, #tpu.memory_space<vmem>>) dst(%dma_wait3A_151 : memref<10000x72xf32, #tpu.memory_space<vmem_shared>>)
      %add3A_152 = arith.constant 1 : i32
      %add3A_153 = arith.addi %add3A_116, %add3A_152 : i32
      %dma_start3A_154 = arith.constant 0 : i32
      %dma_start3A_155 = arith.constant 0 : i32
      %dma_start3A_156 = arith.constant 0 : i32
      %dma_start3A_157 = tpu.memref_slice %arg9[%dma_start3A_154, %dma_start3A_155, %dma_start3A_156] : memref<2x200x72xf32, #tpu.memory_space<vmem>> -> memref<1x200x72xf32, #tpu.memory_space<vmem>>
      %dma_start3A_158 = tpu.memref_squeeze %dma_start3A_157 : memref<1x200x72xf32, #tpu.memory_space<vmem>> -> memref<200x72xf32, #tpu.memory_space<vmem>>
      %dma_start3A_159 = arith.constant 0 : i32
      %dma_start3A_160 = tpu.memref_slice %arg7[%add3A_153, %dma_start3A_159] : memref<50x200xi32, #tpu.memory_space<vmem>> -> memref<1x200xi32, #tpu.memory_space<vmem>>
      %dma_start3A_161 = tpu.memref_squeeze %dma_start3A_160 : memref<1x200xi32, #tpu.memory_space<vmem>> -> memref<200xi32, #tpu.memory_space<vmem>>
      %dma_start3A_162 = arith.constant 0 : i32
      %dma_start3A_163 = arith.constant 0 : i32
      %dma_start3A_164 = tpu.memref_slice %arg2[%dma_start3A_162, %dma_start3A_163] : memref<10000x72xf32, #tpu.memory_space<hbm>> -> memref<10000x72xf32, #tpu.memory_space<hbm>>
      tpu.enqueue_indirect_dma source(%dma_start3A_164 : memref<10000x72xf32, #tpu.memory_space<hbm>>) target(%dma_start3A_158 : memref<200x72xf32, #tpu.memory_space<vmem>>) offsets(%dma_start3A_161 : memref<200xi32, #tpu.memory_space<vmem>>) semaphore(%arg11 : memref<!tpu.dma_semaphore, #tpu.memory_space<semaphore_mem>>)
      %mul3A_165 = arith.constant 2 : i32
      %mul3A_166 = arith.muli %mul3A_165, %scan3A_110 : i32
      %add3A_167 = arith.constant 1 : i32
      %add3A_168 = arith.addi %mul3A_166, %add3A_167 : i32
      %add3A_169 = arith.constant 1 : i32
      %add3A_170 = arith.addi %add3A_168, %add3A_169 : i32
      %dma_wait3A_171 = arith.constant 0 : i32
      %dma_wait3A_172 = arith.constant 0 : i32
      %dma_wait3A_173 = arith.constant 0 : i32
      %dma_wait3A_174 = arith.constant 0 : i32
      %dma_wait3A_175 = tpu.memref_slice %arg9[%dma_wait3A_172, %dma_wait3A_173, %dma_wait3A_174] : memref<2x200x72xf32, #tpu.memory_space<vmem>> -> memref<1x200x72xf32, #tpu.memory_space<vmem>>
      %dma_wait3A_176 = tpu.memref_squeeze %dma_wait3A_175 : memref<1x200x72xf32, #tpu.memory_space<vmem>> -> memref<200x72xf32, #tpu.memory_space<vmem>>
      %dma_wait3A_177 = arith.constant 0 : i32
      %dma_wait3A_178 = tpu.memref_slice %arg7[%dma_wait3A_171, %dma_wait3A_177] : memref<50x200xi32, #tpu.memory_space<vmem>> -> memref<1x200xi32, #tpu.memory_space<vmem>>
      %dma_wait3A_179 = tpu.memref_squeeze %dma_wait3A_178 : memref<1x200xi32, #tpu.memory_space<vmem>> -> memref<200xi32, #tpu.memory_space<vmem>>
      %dma_wait3A_180 = arith.constant 0 : i32
      %dma_wait3A_181 = arith.constant 0 : i32
      %dma_wait3A_182 = tpu.memref_slice %arg2[%dma_wait3A_180, %dma_wait3A_181] : memref<10000x72xf32, #tpu.memory_space<hbm>> -> memref<10000x72xf32, #tpu.memory_space<hbm>>
      tpu.wait_indirect_dma semaphore(%arg11 : memref<!tpu.dma_semaphore, #tpu.memory_space<semaphore_mem>>) src(%dma_wait3A_182 : memref<10000x72xf32, #tpu.memory_space<hbm>>) dst(%dma_wait3A_176 : memref<200x72xf32, #tpu.memory_space<vmem>>)
      %dma_start3A_183 = arith.constant 0 : i32
      %dma_start3A_184 = arith.constant 0 : i32
      %dma_start3A_185 = arith.constant 0 : i32
      %dma_start3A_186 = tpu.memref_slice %arg9[%dma_start3A_183, %dma_start3A_184, %dma_start3A_185] : memref<2x200x72xf32, #tpu.memory_space<vmem>> -> memref<1x200x72xf32, #tpu.memory_space<vmem>>
      %dma_start3A_187 = tpu.memref_squeeze %dma_start3A_186 : memref<1x200x72xf32, #tpu.memory_space<vmem>> -> memref<200x72xf32, #tpu.memory_space<vmem>>
      %dma_start3A_188 = arith.constant 0 : i32
      %dma_start3A_189 = tpu.memref_slice %arg8[%add3A_170, %dma_start3A_188] : memref<50x200xi32, #tpu.memory_space<vmem>> -> memref<1x200xi32, #tpu.memory_space<vmem>>
      %dma_start3A_190 = tpu.memref_squeeze %dma_start3A_189 : memref<1x200xi32, #tpu.memory_space<vmem>> -> memref<200xi32, #tpu.memory_space<vmem>>
      %dma_start3A_191 = arith.constant 0 : i32
      %dma_start3A_192 = arith.constant 0 : i32
      %dma_start3A_193 = tpu.memref_slice %arg10[%dma_start3A_191, %dma_start3A_192] : memref<10000x72xf32, #tpu.memory_space<vmem_shared>> -> memref<10000x72xf32, #tpu.memory_space<vmem_shared>>
      tpu.enqueue_indirect_dma source(%dma_start3A_187 : memref<200x72xf32, #tpu.memory_space<vmem>>) target(%dma_start3A_193 : memref<10000x72xf32, #tpu.memory_space<vmem_shared>>) offsets(%dma_start3A_190 : memref<200xi32, #tpu.memory_space<vmem>>) semaphore(%arg13 : memref<!tpu.dma_semaphore, #tpu.memory_space<semaphore_mem>>) {add = true}
      %dma_wait3A_194 = arith.constant 1 : i32
      %dma_wait3A_195 = arith.constant 0 : i32
      %dma_wait3A_196 = arith.constant 0 : i32
      %dma_wait3A_197 = arith.constant 0 : i32
      %dma_wait3A_198 = tpu.memref_slice %arg9[%dma_wait3A_194, %dma_wait3A_196, %dma_wait3A_197] : memref<2x200x72xf32, #tpu.memory_space<vmem>> -> memref<1x200x72xf32, #tpu.memory_space<vmem>>
      %dma_wait3A_199 = tpu.memref_squeeze %dma_wait3A_198 : memref<1x200x72xf32, #tpu.memory_space<vmem>> -> memref<200x72xf32, #tpu.memory_space<vmem>>
      %dma_wait3A_200 = arith.constant 0 : i32
      %dma_wait3A_201 = tpu.memref_slice %arg8[%dma_wait3A_195, %dma_wait3A_200] : memref<50x200xi32, #tpu.memory_space<vmem>> -> memref<1x200xi32, #tpu.memory_space<vmem>>
      %dma_wait3A_202 = tpu.memref_squeeze %dma_wait3A_201 : memref<1x200xi32, #tpu.memory_space<vmem>> -> memref<200xi32, #tpu.memory_space<vmem>>
      %dma_wait3A_203 = arith.constant 0 : i32
      %dma_wait3A_204 = arith.constant 0 : i32
      %dma_wait3A_205 = tpu.memref_slice %arg10[%dma_wait3A_203, %dma_wait3A_204] : memref<10000x72xf32, #tpu.memory_space<vmem_shared>> -> memref<10000x72xf32, #tpu.memory_space<vmem_shared>>
      tpu.wait_indirect_dma semaphore(%arg14 : memref<!tpu.dma_semaphore, #tpu.memory_space<semaphore_mem>>) src(%dma_wait3A_199 : memref<200x72xf32, #tpu.memory_space<vmem>>) dst(%dma_wait3A_205 : memref<10000x72xf32, #tpu.memory_space<vmem_shared>>)
      %add3A_206 = arith.constant 1 : i32
      %add3A_207 = arith.addi %add3A_170, %add3A_206 : i32
      %dma_start3A_208 = arith.constant 1 : i32
      %dma_start3A_209 = arith.constant 0 : i32
      %dma_start3A_210 = arith.constant 0 : i32
      %dma_start3A_211 = tpu.memref_slice %arg9[%dma_start3A_208, %dma_start3A_209, %dma_start3A_210] : memref<2x200x72xf32, #tpu.memory_space<vmem>> -> memref<1x200x72xf32, #tpu.memory_space<vmem>>
      %dma_start3A_212 = tpu.memref_squeeze %dma_start3A_211 : memref<1x200x72xf32, #tpu.memory_space<vmem>> -> memref<200x72xf32, #tpu.memory_space<vmem>>
      %dma_start3A_213 = arith.constant 0 : i32
      %dma_start3A_214 = tpu.memref_slice %arg7[%add3A_207, %dma_start3A_213] : memref<50x200xi32, #tpu.memory_space<vmem>> -> memref<1x200xi32, #tpu.memory_space<vmem>>
      %dma_start3A_215 = tpu.memref_squeeze %dma_start3A_214 : memref<1x200xi32, #tpu.memory_space<vmem>> -> memref<200xi32, #tpu.memory_space<vmem>>
      %dma_start3A_216 = arith.constant 0 : i32
      %dma_start3A_217 = arith.constant 0 : i32
      %dma_start3A_218 = tpu.memref_slice %arg2[%dma_start3A_216, %dma_start3A_217] : memref<10000x72xf32, #tpu.memory_space<hbm>> -> memref<10000x72xf32, #tpu.memory_space<hbm>>
      tpu.enqueue_indirect_dma source(%dma_start3A_218 : memref<10000x72xf32, #tpu.memory_space<hbm>>) target(%dma_start3A_212 : memref<200x72xf32, #tpu.memory_space<vmem>>) offsets(%dma_start3A_215 : memref<200xi32, #tpu.memory_space<vmem>>) semaphore(%arg12 : memref<!tpu.dma_semaphore, #tpu.memory_space<semaphore_mem>>)
    }
    %scan3A_55 = arith.constant 24 : i32
    %dma_wait3A_56 = arith.constant 0 : i32
    %dma_wait3A_57 = arith.constant 1 : i32
    %dma_wait3A_58 = arith.constant 0 : i32
    %dma_wait3A_59 = arith.constant 0 : i32
    %dma_wait3A_60 = tpu.memref_slice %arg9[%dma_wait3A_57, %dma_wait3A_58, %dma_wait3A_59] : memref<2x200x72xf32, #tpu.memory_space<vmem>> -> memref<1x200x72xf32, #tpu.memory_space<vmem>>
    %dma_wait3A_61 = tpu.memref_squeeze %dma_wait3A_60 : memref<1x200x72xf32, #tpu.memory_space<vmem>> -> memref<200x72xf32, #tpu.memory_space<vmem>>
    %dma_wait3A_62 = arith.constant 0 : i32
    %dma_wait3A_63 = tpu.memref_slice %arg7[%dma_wait3A_56, %dma_wait3A_62] : memref<50x200xi32, #tpu.memory_space<vmem>> -> memref<1x200xi32, #tpu.memory_space<vmem>>
    %dma_wait3A_64 = tpu.memref_squeeze %dma_wait3A_63 : memref<1x200xi32, #tpu.memory_space<vmem>> -> memref<200xi32, #tpu.memory_space<vmem>>
    %dma_wait3A_65 = arith.constant 0 : i32
    %dma_wait3A_66 = arith.constant 0 : i32
    %dma_wait3A_67 = tpu.memref_slice %arg2[%dma_wait3A_65, %dma_wait3A_66] : memref<10000x72xf32, #tpu.memory_space<hbm>> -> memref<10000x72xf32, #tpu.memory_space<hbm>>
    tpu.wait_indirect_dma semaphore(%arg12 : memref<!tpu.dma_semaphore, #tpu.memory_space<semaphore_mem>>) src(%dma_wait3A_67 : memref<10000x72xf32, #tpu.memory_space<hbm>>) dst(%dma_wait3A_61 : memref<200x72xf32, #tpu.memory_space<vmem>>)
    %dma_start3A_68 = arith.constant 1 : i32
    %dma_start3A_69 = arith.constant 49 : i32
    %dma_start3A_70 = arith.constant 0 : i32
    %dma_start3A_71 = arith.constant 0 : i32
    %dma_start3A_72 = tpu.memref_slice %arg9[%dma_start3A_68, %dma_start3A_70, %dma_start3A_71] : memref<2x200x72xf32, #tpu.memory_space<vmem>> -> memref<1x200x72xf32, #tpu.memory_space<vmem>>
    %dma_start3A_73 = tpu.memref_squeeze %dma_start3A_72 : memref<1x200x72xf32, #tpu.memory_space<vmem>> -> memref<200x72xf32, #tpu.memory_space<vmem>>
    %dma_start3A_74 = arith.constant 0 : i32
    %dma_start3A_75 = tpu.memref_slice %arg8[%dma_start3A_69, %dma_start3A_74] : memref<50x200xi32, #tpu.memory_space<vmem>> -> memref<1x200xi32, #tpu.memory_space<vmem>>
    %dma_start3A_76 = tpu.memref_squeeze %dma_start3A_75 : memref<1x200xi32, #tpu.memory_space<vmem>> -> memref<200xi32, #tpu.memory_space<vmem>>
    %dma_start3A_77 = arith.constant 0 : i32
    %dma_start3A_78 = arith.constant 0 : i32
    %dma_start3A_79 = tpu.memref_slice %arg10[%dma_start3A_77, %dma_start3A_78] : memref<10000x72xf32, #tpu.memory_space<vmem_shared>> -> memref<10000x72xf32, #tpu.memory_space<vmem_shared>>
    tpu.enqueue_indirect_dma source(%dma_start3A_73 : memref<200x72xf32, #tpu.memory_space<vmem>>) target(%dma_start3A_79 : memref<10000x72xf32, #tpu.memory_space<vmem_shared>>) offsets(%dma_start3A_76 : memref<200xi32, #tpu.memory_space<vmem>>) semaphore(%arg14 : memref<!tpu.dma_semaphore, #tpu.memory_space<semaphore_mem>>) {add = true}
    %dma_wait3A_80 = arith.constant 0 : i32
    %dma_wait3A_81 = arith.constant 0 : i32
    %dma_wait3A_82 = arith.constant 0 : i32
    %dma_wait3A_83 = arith.constant 0 : i32
    %dma_wait3A_84 = tpu.memref_slice %arg9[%dma_wait3A_80, %dma_wait3A_82, %dma_wait3A_83] : memref<2x200x72xf32, #tpu.memory_space<vmem>> -> memref<1x200x72xf32, #tpu.memory_space<vmem>>
    %dma_wait3A_85 = tpu.memref_squeeze %dma_wait3A_84 : memref<1x200x72xf32, #tpu.memory_space<vmem>> -> memref<200x72xf32, #tpu.memory_space<vmem>>
    %dma_wait3A_86 = arith.constant 0 : i32
    %dma_wait3A_87 = tpu.memref_slice %arg8[%dma_wait3A_81, %dma_wait3A_86] : memref<50x200xi32, #tpu.memory_space<vmem>> -> memref<1x200xi32, #tpu.memory_space<vmem>>
    %dma_wait3A_88 = tpu.memref_squeeze %dma_wait3A_87 : memref<1x200xi32, #tpu.memory_space<vmem>> -> memref<200xi32, #tpu.memory_space<vmem>>
    %dma_wait3A_89 = arith.constant 0 : i32
    %dma_wait3A_90 = arith.constant 0 : i32
    %dma_wait3A_91 = tpu.memref_slice %arg10[%dma_wait3A_89, %dma_wait3A_90] : memref<10000x72xf32, #tpu.memory_space<vmem_shared>> -> memref<10000x72xf32, #tpu.memory_space<vmem_shared>>
    tpu.wait_indirect_dma semaphore(%arg13 : memref<!tpu.dma_semaphore, #tpu.memory_space<semaphore_mem>>) src(%dma_wait3A_85 : memref<200x72xf32, #tpu.memory_space<vmem>>) dst(%dma_wait3A_91 : memref<10000x72xf32, #tpu.memory_space<vmem_shared>>)
    %dma_wait3A_92 = arith.constant 1 : i32
    %dma_wait3A_93 = arith.constant 0 : i32
    %dma_wait3A_94 = arith.constant 0 : i32
    %dma_wait3A_95 = arith.constant 0 : i32
    %dma_wait3A_96 = tpu.memref_slice %arg9[%dma_wait3A_92, %dma_wait3A_94, %dma_wait3A_95] : memref<2x200x72xf32, #tpu.memory_space<vmem>> -> memref<1x200x72xf32, #tpu.memory_space<vmem>>
    %dma_wait3A_97 = tpu.memref_squeeze %dma_wait3A_96 : memref<1x200x72xf32, #tpu.memory_space<vmem>> -> memref<200x72xf32, #tpu.memory_space<vmem>>
    %dma_wait3A_98 = arith.constant 0 : i32
    %dma_wait3A_99 = tpu.memref_slice %arg8[%dma_wait3A_93, %dma_wait3A_98] : memref<50x200xi32, #tpu.memory_space<vmem>> -> memref<1x200xi32, #tpu.memory_space<vmem>>
    %dma_wait3A_100 = tpu.memref_squeeze %dma_wait3A_99 : memref<1x200xi32, #tpu.memory_space<vmem>> -> memref<200xi32, #tpu.memory_space<vmem>>
    %dma_wait3A_101 = arith.constant 0 : i32
    %dma_wait3A_102 = arith.constant 0 : i32
    %dma_wait3A_103 = tpu.memref_slice %arg10[%dma_wait3A_101, %dma_wait3A_102] : memref<10000x72xf32, #tpu.memory_space<vmem_shared>> -> memref<10000x72xf32, #tpu.memory_space<vmem_shared>>
    tpu.wait_indirect_dma semaphore(%arg14 : memref<!tpu.dma_semaphore, #tpu.memory_space<semaphore_mem>>) src(%dma_wait3A_97 : memref<200x72xf32, #tpu.memory_space<vmem>>) dst(%dma_wait3A_103 : memref<10000x72xf32, #tpu.memory_space<vmem_shared>>)
    %barrier3A_104 = arith.constant 0 : index
    tpu.barrier barrier_id(%barrier3A_104)
    "tpu.region"() ({
      %run_scoped3A = tpu.sem_alloc : memref<!tpu.dma_semaphore, #tpu.memory_space<semaphore_mem>>
      %dma_start3A_110 = arith.constant 0 : i32
      %dma_start3A_111 = arith.constant 0 : i32
      %dma_start3A_112 = tpu.memref_slice %arg6[%arg0, %dma_start3A_110, %dma_start3A_111] : memref<2x10000x72xf32, #tpu.memory_space<hbm>> -> memref<1x10000x72xf32, #tpu.memory_space<hbm>>
      %dma_start3A_113 = tpu.memref_squeeze %dma_start3A_112 : memref<1x10000x72xf32, #tpu.memory_space<hbm>> -> memref<10000x72xf32, #tpu.memory_space<hbm>>
      %dma_start3A_114 = arith.constant 0 : i32
      %dma_start3A_115 = tpu.memref_slice %dma_start3A_113[%mul3A_2, %dma_start3A_114] : memref<10000x72xf32, #tpu.memory_space<hbm>> -> memref<624x72xf32, #tpu.memory_space<hbm>>
      %dma_start3A_116 = arith.constant 0 : i32
      %dma_start3A_117 = tpu.memref_slice %arg10[%mul3A_2, %dma_start3A_116] : memref<10000x72xf32, #tpu.memory_space<vmem_shared>> -> memref<624x72xf32, #tpu.memory_space<vmem_shared>>
      tpu.enqueue_dma source(%dma_start3A_117 : memref<624x72xf32, #tpu.memory_space<vmem_shared>>) target(%dma_start3A_115 : memref<624x72xf32, #tpu.memory_space<hbm>>) target_semaphore(%run_scoped3A : memref<!tpu.dma_semaphore, #tpu.memory_space<semaphore_mem>>)
      %dma_wait3A_118 = arith.constant 0 : i32
      %dma_wait3A_119 = arith.constant 0 : i32
      %dma_wait3A_120 = tpu.memref_slice %arg6[%arg0, %dma_wait3A_118, %dma_wait3A_119] : memref<2x10000x72xf32, #tpu.memory_space<hbm>> -> memref<1x10000x72xf32, #tpu.memory_space<hbm>>
      %dma_wait3A_121 = tpu.memref_squeeze %dma_wait3A_120 : memref<1x10000x72xf32, #tpu.memory_space<hbm>> -> memref<10000x72xf32, #tpu.memory_space<hbm>>
      %dma_wait3A_122 = arith.constant 0 : i32
      %dma_wait3A_123 = tpu.memref_slice %dma_wait3A_121[%mul3A_2, %dma_wait3A_122] : memref<10000x72xf32, #tpu.memory_space<hbm>> -> memref<624x72xf32, #tpu.memory_space<hbm>>
      %dma_wait3A_124 = arith.constant 0 : i32
      %dma_wait3A_125 = tpu.memref_slice %arg10[%mul3A_2, %dma_wait3A_124] : memref<10000x72xf32, #tpu.memory_space<vmem_shared>> -> memref<624x72xf32, #tpu.memory_space<vmem_shared>>
      tpu.wait_dma2 semaphore(%run_scoped3A : memref<!tpu.dma_semaphore, #tpu.memory_space<semaphore_mem>>) src(%dma_wait3A_125 : memref<624x72xf32, #tpu.memory_space<vmem_shared>>) dst(%dma_wait3A_123 : memref<624x72xf32, #tpu.memory_space<hbm>>)
      tpu.yield
    }) : () -> ()
    %eq3A_105 = arith.constant 0 : i32
    %eq3A_106 = arith.cmpi eq, %arg1, %eq3A_105 : i32
    %convert_element_type3A_107 = arith.extui %eq3A_106 : i1 to i32
    %cond3A_108 = arith.constant 0 : i32
    %cond3A_109 = arith.cmpi ne, %convert_element_type3A_107, %cond3A_108 : i32
    scf.if %cond3A_109 {
      "tpu.region"() ({
        %run_scoped3A = tpu.sem_alloc : memref<!tpu.dma_semaphore, #tpu.memory_space<semaphore_mem>>
        %dma_start3A_110 = arith.constant 0 : i32
        %dma_start3A_111 = arith.constant 0 : i32
        %dma_start3A_112 = tpu.memref_slice %arg6[%arg0, %dma_start3A_110, %dma_start3A_111] : memref<2x10000x72xf32, #tpu.memory_space<hbm>> -> memref<1x10000x72xf32, #tpu.memory_space<hbm>>
        %dma_start3A_113 = tpu.memref_squeeze %dma_start3A_112 : memref<1x10000x72xf32, #tpu.memory_space<hbm>> -> memref<10000x72xf32, #tpu.memory_space<hbm>>
        %dma_start3A_114 = arith.constant 9984 : i32
        %dma_start3A_115 = arith.constant 0 : i32
        %dma_start3A_116 = tpu.memref_slice %dma_start3A_113[%dma_start3A_114, %dma_start3A_115] : memref<10000x72xf32, #tpu.memory_space<hbm>> -> memref<16x72xf32, #tpu.memory_space<hbm>>
        %dma_start3A_117 = arith.constant 9984 : i32
        %dma_start3A_118 = arith.constant 0 : i32
        %dma_start3A_119 = tpu.memref_slice %arg10[%dma_start3A_117, %dma_start3A_118] : memref<10000x72xf32, #tpu.memory_space<vmem_shared>> -> memref<16x72xf32, #tpu.memory_space<vmem_shared>>
        tpu.enqueue_dma source(%dma_start3A_119 : memref<16x72xf32, #tpu.memory_space<vmem_shared>>) target(%dma_start3A_116 : memref<16x72xf32, #tpu.memory_space<hbm>>) target_semaphore(%run_scoped3A : memref<!tpu.dma_semaphore, #tpu.memory_space<semaphore_mem>>)
        %dma_wait3A_120 = arith.constant 0 : i32
        %dma_wait3A_121 = arith.constant 0 : i32
        %dma_wait3A_122 = tpu.memref_slice %arg6[%arg0, %dma_wait3A_120, %dma_wait3A_121] : memref<2x10000x72xf32, #tpu.memory_space<hbm>> -> memref<1x10000x72xf32, #tpu.memory_space<hbm>>
        %dma_wait3A_123 = tpu.memref_squeeze %dma_wait3A_122 : memref<1x10000x72xf32, #tpu.memory_space<hbm>> -> memref<10000x72xf32, #tpu.memory_space<hbm>>
        %dma_wait3A_124 = arith.constant 9984 : i32
        %dma_wait3A_125 = arith.constant 0 : i32
        %dma_wait3A_126 = tpu.memref_slice %dma_wait3A_123[%dma_wait3A_124, %dma_wait3A_125] : memref<10000x72xf32, #tpu.memory_space<hbm>> -> memref<16x72xf32, #tpu.memory_space<hbm>>
        %dma_wait3A_127 = arith.constant 9984 : i32
        %dma_wait3A_128 = arith.constant 0 : i32
        %dma_wait3A_129 = tpu.memref_slice %arg10[%dma_wait3A_127, %dma_wait3A_128] : memref<10000x72xf32, #tpu.memory_space<vmem_shared>> -> memref<16x72xf32, #tpu.memory_space<vmem_shared>>
        tpu.wait_dma2 semaphore(%run_scoped3A : memref<!tpu.dma_semaphore, #tpu.memory_space<semaphore_mem>>) src(%dma_wait3A_129 : memref<16x72xf32, #tpu.memory_space<vmem_shared>>) dst(%dma_wait3A_126 : memref<16x72xf32, #tpu.memory_space<hbm>>)
        tpu.yield
      }) : () -> ()
    } else {
    }
    return
  }
}

#map = affine_map<(d0, d1) -> (0, 0)>
#map1 = affine_map<(d0, d1) -> (0, 0, 0)>
module attributes {stable_mosaic.version = 14 : i64} {
  func.func @k(%arg0: i32, %arg1: i32, %arg2: memref<10000x16xf32, #tpu.memory_space<hbm>>, %arg3: memref<32x50x200xi32, #tpu.memory_space<hbm>>, %arg4: memref<32x50x200xi32, #tpu.memory_space<hbm>>, %arg5: memref<10000x16xf32, #tpu.memory_space<hbm>>, %arg6: memref<2x10000x16xf32, #tpu.memory_space<hbm>>, %arg7: memref<50x200xi32, #tpu.memory_space<vmem>>, %arg8: memref<50x200xi32, #tpu.memory_space<vmem>>, %arg9: memref<2x200x16xf32, #tpu.memory_space<vmem>>, %arg10: memref<10000x16xf32, #tpu.memory_space<vmem_shared>>, %arg11: memref<!tpu.dma_semaphore, #tpu.memory_space<semaphore_mem>>, %arg12: memref<!tpu.dma_semaphore, #tpu.memory_space<semaphore_mem>>, %arg13: memref<!tpu.dma_semaphore, #tpu.memory_space<semaphore_mem>>, %arg14: memref<!tpu.dma_semaphore, #tpu.memory_space<semaphore_mem>>, %arg15: memref<10000x16xf32, #tpu.memory_space<vmem_shared>>) attributes {dimension_semantics = [#tpu.dimension_semantics<core_parallel>, #tpu.dimension_semantics<subcore_parallel>], iteration_bounds = array<i64: 2, 16>, scalar_prefetch = 0 : i64, scratch_operands = 9 : i64, tpu.core_type = #tpu.core_type<sc_vector_subcore>, window_params = [{transform_indices = #map}, {transform_indices = #map1}, {transform_indices = #map1}, {transform_indices = #map}, {transform_indices = #map1}]} {
    %mul3A = arith.constant 16 : i32
    %mul3A_0 = arith.muli %arg0, %mul3A : i32
    %add3A = arith.addi %mul3A_0, %arg1 : i32
    %mul3A_1 = arith.constant 624 : i32
    %mul3A_2 = arith.muli %arg1, %mul3A_1 : i32
    "tpu.region"() ({
      %run_scoped3A = tpu.sem_alloc : memref<!tpu.dma_semaphore, #tpu.memory_space<semaphore_mem>>
      %dma_start3A_115 = arith.constant 0 : i32
      %dma_start3A_116 = tpu.memref_slice %arg10[%mul3A_2, %dma_start3A_115] : memref<10000x16xf32, #tpu.memory_space<vmem_shared>> -> memref<624x16xf32, #tpu.memory_space<vmem_shared>>
      %dma_start3A_117 = arith.constant 0 : i32
      %dma_start3A_118 = tpu.memref_slice %arg5[%mul3A_2, %dma_start3A_117] : memref<10000x16xf32, #tpu.memory_space<hbm>> -> memref<624x16xf32, #tpu.memory_space<hbm>>
      tpu.enqueue_dma source(%dma_start3A_118 : memref<624x16xf32, #tpu.memory_space<hbm>>) target(%dma_start3A_116 : memref<624x16xf32, #tpu.memory_space<vmem_shared>>) target_semaphore(%run_scoped3A : memref<!tpu.dma_semaphore, #tpu.memory_space<semaphore_mem>>)
      %dma_wait3A_119 = arith.constant 0 : i32
      %dma_wait3A_120 = tpu.memref_slice %arg10[%mul3A_2, %dma_wait3A_119] : memref<10000x16xf32, #tpu.memory_space<vmem_shared>> -> memref<624x16xf32, #tpu.memory_space<vmem_shared>>
      %dma_wait3A_121 = arith.constant 0 : i32
      %dma_wait3A_122 = tpu.memref_slice %arg5[%mul3A_2, %dma_wait3A_121] : memref<10000x16xf32, #tpu.memory_space<hbm>> -> memref<624x16xf32, #tpu.memory_space<hbm>>
      tpu.wait_dma2 semaphore(%run_scoped3A : memref<!tpu.dma_semaphore, #tpu.memory_space<semaphore_mem>>) src(%dma_wait3A_122 : memref<624x16xf32, #tpu.memory_space<hbm>>) dst(%dma_wait3A_120 : memref<624x16xf32, #tpu.memory_space<vmem_shared>>)
      tpu.yield
    }) : () -> ()
    %eq3A = arith.constant 0 : i32
    %eq3A_3 = arith.cmpi eq, %arg1, %eq3A : i32
    %convert_element_type3A = arith.extui %eq3A_3 : i1 to i32
    %cond3A = arith.constant 0 : i32
    %cond3A_4 = arith.cmpi ne, %convert_element_type3A, %cond3A : i32
    scf.if %cond3A_4 {
      "tpu.region"() ({
        %run_scoped3A = tpu.sem_alloc : memref<!tpu.dma_semaphore, #tpu.memory_space<semaphore_mem>>
        %dma_start3A_115 = arith.constant 9984 : i32
        %dma_start3A_116 = arith.constant 0 : i32
        %dma_start3A_117 = tpu.memref_slice %arg10[%dma_start3A_115, %dma_start3A_116] : memref<10000x16xf32, #tpu.memory_space<vmem_shared>> -> memref<16x16xf32, #tpu.memory_space<vmem_shared>>
        %dma_start3A_118 = arith.constant 9984 : i32
        %dma_start3A_119 = arith.constant 0 : i32
        %dma_start3A_120 = tpu.memref_slice %arg5[%dma_start3A_118, %dma_start3A_119] : memref<10000x16xf32, #tpu.memory_space<hbm>> -> memref<16x16xf32, #tpu.memory_space<hbm>>
        tpu.enqueue_dma source(%dma_start3A_120 : memref<16x16xf32, #tpu.memory_space<hbm>>) target(%dma_start3A_117 : memref<16x16xf32, #tpu.memory_space<vmem_shared>>) target_semaphore(%run_scoped3A : memref<!tpu.dma_semaphore, #tpu.memory_space<semaphore_mem>>)
        %dma_wait3A_121 = arith.constant 9984 : i32
        %dma_wait3A_122 = arith.constant 0 : i32
        %dma_wait3A_123 = tpu.memref_slice %arg10[%dma_wait3A_121, %dma_wait3A_122] : memref<10000x16xf32, #tpu.memory_space<vmem_shared>> -> memref<16x16xf32, #tpu.memory_space<vmem_shared>>
        %dma_wait3A_124 = arith.constant 9984 : i32
        %dma_wait3A_125 = arith.constant 0 : i32
        %dma_wait3A_126 = tpu.memref_slice %arg5[%dma_wait3A_124, %dma_wait3A_125] : memref<10000x16xf32, #tpu.memory_space<hbm>> -> memref<16x16xf32, #tpu.memory_space<hbm>>
        tpu.wait_dma2 semaphore(%run_scoped3A : memref<!tpu.dma_semaphore, #tpu.memory_space<semaphore_mem>>) src(%dma_wait3A_126 : memref<16x16xf32, #tpu.memory_space<hbm>>) dst(%dma_wait3A_123 : memref<16x16xf32, #tpu.memory_space<vmem_shared>>)
        tpu.yield
      }) : () -> ()
    } else {
    }
    "tpu.region"() ({
      %run_scoped3A = tpu.sem_alloc : memref<!tpu.dma_semaphore, #tpu.memory_space<semaphore_mem>>
      %dma_start3A_115 = arith.constant 0 : i32
      %dma_start3A_116 = tpu.memref_slice %arg15[%mul3A_2, %dma_start3A_115] : memref<10000x16xf32, #tpu.memory_space<vmem_shared>> -> memref<624x16xf32, #tpu.memory_space<vmem_shared>>
      %dma_start3A_117 = arith.constant 0 : i32
      %dma_start3A_118 = tpu.memref_slice %arg2[%mul3A_2, %dma_start3A_117] : memref<10000x16xf32, #tpu.memory_space<hbm>> -> memref<624x16xf32, #tpu.memory_space<hbm>>
      tpu.enqueue_dma source(%dma_start3A_118 : memref<624x16xf32, #tpu.memory_space<hbm>>) target(%dma_start3A_116 : memref<624x16xf32, #tpu.memory_space<vmem_shared>>) target_semaphore(%run_scoped3A : memref<!tpu.dma_semaphore, #tpu.memory_space<semaphore_mem>>)
      %dma_wait3A_119 = arith.constant 0 : i32
      %dma_wait3A_120 = tpu.memref_slice %arg15[%mul3A_2, %dma_wait3A_119] : memref<10000x16xf32, #tpu.memory_space<vmem_shared>> -> memref<624x16xf32, #tpu.memory_space<vmem_shared>>
      %dma_wait3A_121 = arith.constant 0 : i32
      %dma_wait3A_122 = tpu.memref_slice %arg2[%mul3A_2, %dma_wait3A_121] : memref<10000x16xf32, #tpu.memory_space<hbm>> -> memref<624x16xf32, #tpu.memory_space<hbm>>
      tpu.wait_dma2 semaphore(%run_scoped3A : memref<!tpu.dma_semaphore, #tpu.memory_space<semaphore_mem>>) src(%dma_wait3A_122 : memref<624x16xf32, #tpu.memory_space<hbm>>) dst(%dma_wait3A_120 : memref<624x16xf32, #tpu.memory_space<vmem_shared>>)
      tpu.yield
    }) : () -> ()
    %eq3A_5 = arith.constant 0 : i32
    %eq3A_6 = arith.cmpi eq, %arg1, %eq3A_5 : i32
    %convert_element_type3A_7 = arith.extui %eq3A_6 : i1 to i32
    %cond3A_8 = arith.constant 0 : i32
    %cond3A_9 = arith.cmpi ne, %convert_element_type3A_7, %cond3A_8 : i32
    scf.if %cond3A_9 {
      "tpu.region"() ({
        %run_scoped3A = tpu.sem_alloc : memref<!tpu.dma_semaphore, #tpu.memory_space<semaphore_mem>>
        %dma_start3A_115 = arith.constant 9984 : i32
        %dma_start3A_116 = arith.constant 0 : i32
        %dma_start3A_117 = tpu.memref_slice %arg15[%dma_start3A_115, %dma_start3A_116] : memref<10000x16xf32, #tpu.memory_space<vmem_shared>> -> memref<16x16xf32, #tpu.memory_space<vmem_shared>>
        %dma_start3A_118 = arith.constant 9984 : i32
        %dma_start3A_119 = arith.constant 0 : i32
        %dma_start3A_120 = tpu.memref_slice %arg2[%dma_start3A_118, %dma_start3A_119] : memref<10000x16xf32, #tpu.memory_space<hbm>> -> memref<16x16xf32, #tpu.memory_space<hbm>>
        tpu.enqueue_dma source(%dma_start3A_120 : memref<16x16xf32, #tpu.memory_space<hbm>>) target(%dma_start3A_117 : memref<16x16xf32, #tpu.memory_space<vmem_shared>>) target_semaphore(%run_scoped3A : memref<!tpu.dma_semaphore, #tpu.memory_space<semaphore_mem>>)
        %dma_wait3A_121 = arith.constant 9984 : i32
        %dma_wait3A_122 = arith.constant 0 : i32
        %dma_wait3A_123 = tpu.memref_slice %arg15[%dma_wait3A_121, %dma_wait3A_122] : memref<10000x16xf32, #tpu.memory_space<vmem_shared>> -> memref<16x16xf32, #tpu.memory_space<vmem_shared>>
        %dma_wait3A_124 = arith.constant 9984 : i32
        %dma_wait3A_125 = arith.constant 0 : i32
        %dma_wait3A_126 = tpu.memref_slice %arg2[%dma_wait3A_124, %dma_wait3A_125] : memref<10000x16xf32, #tpu.memory_space<hbm>> -> memref<16x16xf32, #tpu.memory_space<hbm>>
        tpu.wait_dma2 semaphore(%run_scoped3A : memref<!tpu.dma_semaphore, #tpu.memory_space<semaphore_mem>>) src(%dma_wait3A_126 : memref<16x16xf32, #tpu.memory_space<hbm>>) dst(%dma_wait3A_123 : memref<16x16xf32, #tpu.memory_space<vmem_shared>>)
        tpu.yield
      }) : () -> ()
    } else {
    }
    "tpu.region"() ({
      %run_scoped3A = tpu.sem_alloc : memref<!tpu.dma_semaphore, #tpu.memory_space<semaphore_mem>>
      %dma_start3A_115 = arith.constant 0 : i32
      %dma_start3A_116 = arith.constant 0 : i32
      %dma_start3A_117 = tpu.memref_slice %arg3[%add3A, %dma_start3A_115, %dma_start3A_116] : memref<32x50x200xi32, #tpu.memory_space<hbm>> -> memref<1x50x200xi32, #tpu.memory_space<hbm>>
      %dma_start3A_118 = tpu.memref_squeeze %dma_start3A_117 : memref<1x50x200xi32, #tpu.memory_space<hbm>> -> memref<50x200xi32, #tpu.memory_space<hbm>>
      %dma_start3A_119 = arith.constant 0 : i32
      %dma_start3A_120 = arith.constant 0 : i32
      %dma_start3A_121 = tpu.memref_slice %arg3[%add3A, %dma_start3A_119, %dma_start3A_120] : memref<32x50x200xi32, #tpu.memory_space<hbm>> -> memref<1x50x200xi32, #tpu.memory_space<hbm>>
      %dma_start3A_122 = tpu.memref_squeeze %dma_start3A_121 : memref<1x50x200xi32, #tpu.memory_space<hbm>> -> memref<50x200xi32, #tpu.memory_space<hbm>>
      tpu.enqueue_dma source(%dma_start3A_122 : memref<50x200xi32, #tpu.memory_space<hbm>>) target(%arg7 : memref<50x200xi32, #tpu.memory_space<vmem>>) target_semaphore(%run_scoped3A : memref<!tpu.dma_semaphore, #tpu.memory_space<semaphore_mem>>)
      %dma_wait3A_123 = arith.constant 0 : i32
      %dma_wait3A_124 = arith.constant 0 : i32
      %dma_wait3A_125 = tpu.memref_slice %arg3[%add3A, %dma_wait3A_123, %dma_wait3A_124] : memref<32x50x200xi32, #tpu.memory_space<hbm>> -> memref<1x50x200xi32, #tpu.memory_space<hbm>>
      %dma_wait3A_126 = tpu.memref_squeeze %dma_wait3A_125 : memref<1x50x200xi32, #tpu.memory_space<hbm>> -> memref<50x200xi32, #tpu.memory_space<hbm>>
      %dma_wait3A_127 = arith.constant 0 : i32
      %dma_wait3A_128 = arith.constant 0 : i32
      %dma_wait3A_129 = tpu.memref_slice %arg3[%add3A, %dma_wait3A_127, %dma_wait3A_128] : memref<32x50x200xi32, #tpu.memory_space<hbm>> -> memref<1x50x200xi32, #tpu.memory_space<hbm>>
      %dma_wait3A_130 = tpu.memref_squeeze %dma_wait3A_129 : memref<1x50x200xi32, #tpu.memory_space<hbm>> -> memref<50x200xi32, #tpu.memory_space<hbm>>
      tpu.wait_dma2 semaphore(%run_scoped3A : memref<!tpu.dma_semaphore, #tpu.memory_space<semaphore_mem>>) src(%dma_wait3A_130 : memref<50x200xi32, #tpu.memory_space<hbm>>) dst(%arg7 : memref<50x200xi32, #tpu.memory_space<vmem>>)
      tpu.yield
    }) : () -> ()
    "tpu.region"() ({
      %run_scoped3A = tpu.sem_alloc : memref<!tpu.dma_semaphore, #tpu.memory_space<semaphore_mem>>
      %dma_start3A_115 = arith.constant 0 : i32
      %dma_start3A_116 = arith.constant 0 : i32
      %dma_start3A_117 = tpu.memref_slice %arg4[%add3A, %dma_start3A_115, %dma_start3A_116] : memref<32x50x200xi32, #tpu.memory_space<hbm>> -> memref<1x50x200xi32, #tpu.memory_space<hbm>>
      %dma_start3A_118 = tpu.memref_squeeze %dma_start3A_117 : memref<1x50x200xi32, #tpu.memory_space<hbm>> -> memref<50x200xi32, #tpu.memory_space<hbm>>
      %dma_start3A_119 = arith.constant 0 : i32
      %dma_start3A_120 = arith.constant 0 : i32
      %dma_start3A_121 = tpu.memref_slice %arg4[%add3A, %dma_start3A_119, %dma_start3A_120] : memref<32x50x200xi32, #tpu.memory_space<hbm>> -> memref<1x50x200xi32, #tpu.memory_space<hbm>>
      %dma_start3A_122 = tpu.memref_squeeze %dma_start3A_121 : memref<1x50x200xi32, #tpu.memory_space<hbm>> -> memref<50x200xi32, #tpu.memory_space<hbm>>
      tpu.enqueue_dma source(%dma_start3A_122 : memref<50x200xi32, #tpu.memory_space<hbm>>) target(%arg8 : memref<50x200xi32, #tpu.memory_space<vmem>>) target_semaphore(%run_scoped3A : memref<!tpu.dma_semaphore, #tpu.memory_space<semaphore_mem>>)
      %dma_wait3A_123 = arith.constant 0 : i32
      %dma_wait3A_124 = arith.constant 0 : i32
      %dma_wait3A_125 = tpu.memref_slice %arg4[%add3A, %dma_wait3A_123, %dma_wait3A_124] : memref<32x50x200xi32, #tpu.memory_space<hbm>> -> memref<1x50x200xi32, #tpu.memory_space<hbm>>
      %dma_wait3A_126 = tpu.memref_squeeze %dma_wait3A_125 : memref<1x50x200xi32, #tpu.memory_space<hbm>> -> memref<50x200xi32, #tpu.memory_space<hbm>>
      %dma_wait3A_127 = arith.constant 0 : i32
      %dma_wait3A_128 = arith.constant 0 : i32
      %dma_wait3A_129 = tpu.memref_slice %arg4[%add3A, %dma_wait3A_127, %dma_wait3A_128] : memref<32x50x200xi32, #tpu.memory_space<hbm>> -> memref<1x50x200xi32, #tpu.memory_space<hbm>>
      %dma_wait3A_130 = tpu.memref_squeeze %dma_wait3A_129 : memref<1x50x200xi32, #tpu.memory_space<hbm>> -> memref<50x200xi32, #tpu.memory_space<hbm>>
      tpu.wait_dma2 semaphore(%run_scoped3A : memref<!tpu.dma_semaphore, #tpu.memory_space<semaphore_mem>>) src(%dma_wait3A_130 : memref<50x200xi32, #tpu.memory_space<hbm>>) dst(%arg8 : memref<50x200xi32, #tpu.memory_space<vmem>>)
      tpu.yield
    }) : () -> ()
    %barrier3A = arith.constant 0 : index
    tpu.barrier barrier_id(%barrier3A)
    %dma_start3A = arith.constant 0 : i32
    %dma_start3A_10 = arith.constant 0 : i32
    %dma_start3A_11 = arith.constant 0 : i32
    %dma_start3A_12 = arith.constant 0 : i32
    %dma_start3A_13 = tpu.memref_slice %arg9[%dma_start3A_10, %dma_start3A_11, %dma_start3A_12] : memref<2x200x16xf32, #tpu.memory_space<vmem>> -> memref<1x200x16xf32, #tpu.memory_space<vmem>>
    %dma_start3A_14 = tpu.memref_squeeze %dma_start3A_13 : memref<1x200x16xf32, #tpu.memory_space<vmem>> -> memref<200x16xf32, #tpu.memory_space<vmem>>
    %dma_start3A_15 = arith.constant 0 : i32
    %dma_start3A_16 = tpu.memref_slice %arg7[%dma_start3A, %dma_start3A_15] : memref<50x200xi32, #tpu.memory_space<vmem>> -> memref<1x200xi32, #tpu.memory_space<vmem>>
    %dma_start3A_17 = tpu.memref_squeeze %dma_start3A_16 : memref<1x200xi32, #tpu.memory_space<vmem>> -> memref<200xi32, #tpu.memory_space<vmem>>
    %dma_start3A_18 = arith.constant 0 : i32
    %dma_start3A_19 = arith.constant 0 : i32
    %dma_start3A_20 = tpu.memref_slice %arg15[%dma_start3A_18, %dma_start3A_19] : memref<10000x16xf32, #tpu.memory_space<vmem_shared>> -> memref<10000x16xf32, #tpu.memory_space<vmem_shared>>
    tpu.enqueue_indirect_dma source(%dma_start3A_20 : memref<10000x16xf32, #tpu.memory_space<vmem_shared>>) target(%dma_start3A_14 : memref<200x16xf32, #tpu.memory_space<vmem>>) offsets(%dma_start3A_17 : memref<200xi32, #tpu.memory_space<vmem>>) semaphore(%arg11 : memref<!tpu.dma_semaphore, #tpu.memory_space<semaphore_mem>>)
    %dma_start3A_21 = arith.constant 1 : i32
    %dma_start3A_22 = arith.constant 1 : i32
    %dma_start3A_23 = arith.constant 0 : i32
    %dma_start3A_24 = arith.constant 0 : i32
    %dma_start3A_25 = tpu.memref_slice %arg9[%dma_start3A_22, %dma_start3A_23, %dma_start3A_24] : memref<2x200x16xf32, #tpu.memory_space<vmem>> -> memref<1x200x16xf32, #tpu.memory_space<vmem>>
    %dma_start3A_26 = tpu.memref_squeeze %dma_start3A_25 : memref<1x200x16xf32, #tpu.memory_space<vmem>> -> memref<200x16xf32, #tpu.memory_space<vmem>>
    %dma_start3A_27 = arith.constant 0 : i32
    %dma_start3A_28 = tpu.memref_slice %arg7[%dma_start3A_21, %dma_start3A_27] : memref<50x200xi32, #tpu.memory_space<vmem>> -> memref<1x200xi32, #tpu.memory_space<vmem>>
    %dma_start3A_29 = tpu.memref_squeeze %dma_start3A_28 : memref<1x200xi32, #tpu.memory_space<vmem>> -> memref<200xi32, #tpu.memory_space<vmem>>
    %dma_start3A_30 = arith.constant 0 : i32
    %dma_start3A_31 = arith.constant 0 : i32
    %dma_start3A_32 = tpu.memref_slice %arg15[%dma_start3A_30, %dma_start3A_31] : memref<10000x16xf32, #tpu.memory_space<vmem_shared>> -> memref<10000x16xf32, #tpu.memory_space<vmem_shared>>
    tpu.enqueue_indirect_dma source(%dma_start3A_32 : memref<10000x16xf32, #tpu.memory_space<vmem_shared>>) target(%dma_start3A_26 : memref<200x16xf32, #tpu.memory_space<vmem>>) offsets(%dma_start3A_29 : memref<200xi32, #tpu.memory_space<vmem>>) semaphore(%arg12 : memref<!tpu.dma_semaphore, #tpu.memory_space<semaphore_mem>>)
    %dma_wait3A = arith.constant 0 : i32
    %dma_wait3A_33 = arith.constant 0 : i32
    %dma_wait3A_34 = arith.constant 0 : i32
    %dma_wait3A_35 = arith.constant 0 : i32
    %dma_wait3A_36 = tpu.memref_slice %arg9[%dma_wait3A_33, %dma_wait3A_34, %dma_wait3A_35] : memref<2x200x16xf32, #tpu.memory_space<vmem>> -> memref<1x200x16xf32, #tpu.memory_space<vmem>>
    %dma_wait3A_37 = tpu.memref_squeeze %dma_wait3A_36 : memref<1x200x16xf32, #tpu.memory_space<vmem>> -> memref<200x16xf32, #tpu.memory_space<vmem>>
    %dma_wait3A_38 = arith.constant 0 : i32
    %dma_wait3A_39 = tpu.memref_slice %arg7[%dma_wait3A, %dma_wait3A_38] : memref<50x200xi32, #tpu.memory_space<vmem>> -> memref<1x200xi32, #tpu.memory_space<vmem>>
    %dma_wait3A_40 = tpu.memref_squeeze %dma_wait3A_39 : memref<1x200xi32, #tpu.memory_space<vmem>> -> memref<200xi32, #tpu.memory_space<vmem>>
    %dma_wait3A_41 = arith.constant 0 : i32
    %dma_wait3A_42 = arith.constant 0 : i32
    %dma_wait3A_43 = tpu.memref_slice %arg15[%dma_wait3A_41, %dma_wait3A_42] : memref<10000x16xf32, #tpu.memory_space<vmem_shared>> -> memref<10000x16xf32, #tpu.memory_space<vmem_shared>>
    tpu.wait_indirect_dma semaphore(%arg11 : memref<!tpu.dma_semaphore, #tpu.memory_space<semaphore_mem>>) src(%dma_wait3A_43 : memref<10000x16xf32, #tpu.memory_space<vmem_shared>>) dst(%dma_wait3A_37 : memref<200x16xf32, #tpu.memory_space<vmem>>)
    %dma_start3A_44 = arith.constant 0 : i32
    %dma_start3A_45 = arith.constant 0 : i32
    %dma_start3A_46 = arith.constant 0 : i32
    %dma_start3A_47 = arith.constant 0 : i32
    %dma_start3A_48 = tpu.memref_slice %arg9[%dma_start3A_44, %dma_start3A_46, %dma_start3A_47] : memref<2x200x16xf32, #tpu.memory_space<vmem>> -> memref<1x200x16xf32, #tpu.memory_space<vmem>>
    %dma_start3A_49 = tpu.memref_squeeze %dma_start3A_48 : memref<1x200x16xf32, #tpu.memory_space<vmem>> -> memref<200x16xf32, #tpu.memory_space<vmem>>
    %dma_start3A_50 = arith.constant 0 : i32
    %dma_start3A_51 = tpu.memref_slice %arg8[%dma_start3A_45, %dma_start3A_50] : memref<50x200xi32, #tpu.memory_space<vmem>> -> memref<1x200xi32, #tpu.memory_space<vmem>>
    %dma_start3A_52 = tpu.memref_squeeze %dma_start3A_51 : memref<1x200xi32, #tpu.memory_space<vmem>> -> memref<200xi32, #tpu.memory_space<vmem>>
    %dma_start3A_53 = arith.constant 0 : i32
    %dma_start3A_54 = arith.constant 0 : i32
    %dma_start3A_55 = tpu.memref_slice %arg10[%dma_start3A_53, %dma_start3A_54] : memref<10000x16xf32, #tpu.memory_space<vmem_shared>> -> memref<10000x16xf32, #tpu.memory_space<vmem_shared>>
    tpu.enqueue_indirect_dma source(%dma_start3A_49 : memref<200x16xf32, #tpu.memory_space<vmem>>) target(%dma_start3A_55 : memref<10000x16xf32, #tpu.memory_space<vmem_shared>>) offsets(%dma_start3A_52 : memref<200xi32, #tpu.memory_space<vmem>>) semaphore(%arg13 : memref<!tpu.dma_semaphore, #tpu.memory_space<semaphore_mem>>) {add = true}
    %scan3A = arith.constant 0 : i32
    %scan3A_56 = arith.constant 0 : i32
    %scan3A_57 = arith.constant 24 : i32
    %scan3A_58 = arith.addi %scan3A_56, %scan3A_57 : i32
    %scan3A_59 = arith.constant 1 : i32
    scf.for %scan3A_115 = %scan3A_56 to %scan3A_58 step %scan3A_59  : i32 {
      %mul3A_116 = arith.constant 2 : i32
      %mul3A_117 = arith.muli %mul3A_116, %scan3A_115 : i32
      %add3A_118 = arith.constant 1 : i32
      %add3A_119 = arith.addi %mul3A_117, %add3A_118 : i32
      %add3A_120 = arith.constant 0 : i32
      %add3A_121 = arith.addi %add3A_119, %add3A_120 : i32
      %dma_wait3A_122 = arith.constant 0 : i32
      %dma_wait3A_123 = arith.constant 1 : i32
      %dma_wait3A_124 = arith.constant 0 : i32
      %dma_wait3A_125 = arith.constant 0 : i32
      %dma_wait3A_126 = tpu.memref_slice %arg9[%dma_wait3A_123, %dma_wait3A_124, %dma_wait3A_125] : memref<2x200x16xf32, #tpu.memory_space<vmem>> -> memref<1x200x16xf32, #tpu.memory_space<vmem>>
      %dma_wait3A_127 = tpu.memref_squeeze %dma_wait3A_126 : memref<1x200x16xf32, #tpu.memory_space<vmem>> -> memref<200x16xf32, #tpu.memory_space<vmem>>
      %dma_wait3A_128 = arith.constant 0 : i32
      %dma_wait3A_129 = tpu.memref_slice %arg7[%dma_wait3A_122, %dma_wait3A_128] : memref<50x200xi32, #tpu.memory_space<vmem>> -> memref<1x200xi32, #tpu.memory_space<vmem>>
      %dma_wait3A_130 = tpu.memref_squeeze %dma_wait3A_129 : memref<1x200xi32, #tpu.memory_space<vmem>> -> memref<200xi32, #tpu.memory_space<vmem>>
      %dma_wait3A_131 = arith.constant 0 : i32
      %dma_wait3A_132 = arith.constant 0 : i32
      %dma_wait3A_133 = tpu.memref_slice %arg15[%dma_wait3A_131, %dma_wait3A_132] : memref<10000x16xf32, #tpu.memory_space<vmem_shared>> -> memref<10000x16xf32, #tpu.memory_space<vmem_shared>>
      tpu.wait_indirect_dma semaphore(%arg12 : memref<!tpu.dma_semaphore, #tpu.memory_space<semaphore_mem>>) src(%dma_wait3A_133 : memref<10000x16xf32, #tpu.memory_space<vmem_shared>>) dst(%dma_wait3A_127 : memref<200x16xf32, #tpu.memory_space<vmem>>)
      %dma_start3A_134 = arith.constant 1 : i32
      %dma_start3A_135 = arith.constant 0 : i32
      %dma_start3A_136 = arith.constant 0 : i32
      %dma_start3A_137 = tpu.memref_slice %arg9[%dma_start3A_134, %dma_start3A_135, %dma_start3A_136] : memref<2x200x16xf32, #tpu.memory_space<vmem>> -> memref<1x200x16xf32, #tpu.memory_space<vmem>>
      %dma_start3A_138 = tpu.memref_squeeze %dma_start3A_137 : memref<1x200x16xf32, #tpu.memory_space<vmem>> -> memref<200x16xf32, #tpu.memory_space<vmem>>
      %dma_start3A_139 = arith.constant 0 : i32
      %dma_start3A_140 = tpu.memref_slice %arg8[%add3A_121, %dma_start3A_139] : memref<50x200xi32, #tpu.memory_space<vmem>> -> memref<1x200xi32, #tpu.memory_space<vmem>>
      %dma_start3A_141 = tpu.memref_squeeze %dma_start3A_140 : memref<1x200xi32, #tpu.memory_space<vmem>> -> memref<200xi32, #tpu.memory_space<vmem>>
      %dma_start3A_142 = arith.constant 0 : i32
      %dma_start3A_143 = arith.constant 0 : i32
      %dma_start3A_144 = tpu.memref_slice %arg10[%dma_start3A_142, %dma_start3A_143] : memref<10000x16xf32, #tpu.memory_space<vmem_shared>> -> memref<10000x16xf32, #tpu.memory_space<vmem_shared>>
      tpu.enqueue_indirect_dma source(%dma_start3A_138 : memref<200x16xf32, #tpu.memory_space<vmem>>) target(%dma_start3A_144 : memref<10000x16xf32, #tpu.memory_space<vmem_shared>>) offsets(%dma_start3A_141 : memref<200xi32, #tpu.memory_space<vmem>>) semaphore(%arg14 : memref<!tpu.dma_semaphore, #tpu.memory_space<semaphore_mem>>) {add = true}
      %dma_wait3A_145 = arith.constant 0 : i32
      %dma_wait3A_146 = arith.constant 0 : i32
      %dma_wait3A_147 = arith.constant 0 : i32
      %dma_wait3A_148 = arith.constant 0 : i32
      %dma_wait3A_149 = tpu.memref_slice %arg9[%dma_wait3A_145, %dma_wait3A_147, %dma_wait3A_148] : memref<2x200x16xf32, #tpu.memory_space<vmem>> -> memref<1x200x16xf32, #tpu.memory_space<vmem>>
      %dma_wait3A_150 = tpu.memref_squeeze %dma_wait3A_149 : memref<1x200x16xf32, #tpu.memory_space<vmem>> -> memref<200x16xf32, #tpu.memory_space<vmem>>
      %dma_wait3A_151 = arith.constant 0 : i32
      %dma_wait3A_152 = tpu.memref_slice %arg8[%dma_wait3A_146, %dma_wait3A_151] : memref<50x200xi32, #tpu.memory_space<vmem>> -> memref<1x200xi32, #tpu.memory_space<vmem>>
      %dma_wait3A_153 = tpu.memref_squeeze %dma_wait3A_152 : memref<1x200xi32, #tpu.memory_space<vmem>> -> memref<200xi32, #tpu.memory_space<vmem>>
      %dma_wait3A_154 = arith.constant 0 : i32
      %dma_wait3A_155 = arith.constant 0 : i32
      %dma_wait3A_156 = tpu.memref_slice %arg10[%dma_wait3A_154, %dma_wait3A_155] : memref<10000x16xf32, #tpu.memory_space<vmem_shared>> -> memref<10000x16xf32, #tpu.memory_space<vmem_shared>>
      tpu.wait_indirect_dma semaphore(%arg13 : memref<!tpu.dma_semaphore, #tpu.memory_space<semaphore_mem>>) src(%dma_wait3A_150 : memref<200x16xf32, #tpu.memory_space<vmem>>) dst(%dma_wait3A_156 : memref<10000x16xf32, #tpu.memory_space<vmem_shared>>)
      %add3A_157 = arith.constant 1 : i32
      %add3A_158 = arith.addi %add3A_121, %add3A_157 : i32
      %dma_start3A_159 = arith.constant 0 : i32
      %dma_start3A_160 = arith.constant 0 : i32
      %dma_start3A_161 = arith.constant 0 : i32
      %dma_start3A_162 = tpu.memref_slice %arg9[%dma_start3A_159, %dma_start3A_160, %dma_start3A_161] : memref<2x200x16xf32, #tpu.memory_space<vmem>> -> memref<1x200x16xf32, #tpu.memory_space<vmem>>
      %dma_start3A_163 = tpu.memref_squeeze %dma_start3A_162 : memref<1x200x16xf32, #tpu.memory_space<vmem>> -> memref<200x16xf32, #tpu.memory_space<vmem>>
      %dma_start3A_164 = arith.constant 0 : i32
      %dma_start3A_165 = tpu.memref_slice %arg7[%add3A_158, %dma_start3A_164] : memref<50x200xi32, #tpu.memory_space<vmem>> -> memref<1x200xi32, #tpu.memory_space<vmem>>
      %dma_start3A_166 = tpu.memref_squeeze %dma_start3A_165 : memref<1x200xi32, #tpu.memory_space<vmem>> -> memref<200xi32, #tpu.memory_space<vmem>>
      %dma_start3A_167 = arith.constant 0 : i32
      %dma_start3A_168 = arith.constant 0 : i32
      %dma_start3A_169 = tpu.memref_slice %arg15[%dma_start3A_167, %dma_start3A_168] : memref<10000x16xf32, #tpu.memory_space<vmem_shared>> -> memref<10000x16xf32, #tpu.memory_space<vmem_shared>>
      tpu.enqueue_indirect_dma source(%dma_start3A_169 : memref<10000x16xf32, #tpu.memory_space<vmem_shared>>) target(%dma_start3A_163 : memref<200x16xf32, #tpu.memory_space<vmem>>) offsets(%dma_start3A_166 : memref<200xi32, #tpu.memory_space<vmem>>) semaphore(%arg11 : memref<!tpu.dma_semaphore, #tpu.memory_space<semaphore_mem>>)
      %mul3A_170 = arith.constant 2 : i32
      %mul3A_171 = arith.muli %mul3A_170, %scan3A_115 : i32
      %add3A_172 = arith.constant 1 : i32
      %add3A_173 = arith.addi %mul3A_171, %add3A_172 : i32
      %add3A_174 = arith.constant 1 : i32
      %add3A_175 = arith.addi %add3A_173, %add3A_174 : i32
      %dma_wait3A_176 = arith.constant 0 : i32
      %dma_wait3A_177 = arith.constant 0 : i32
      %dma_wait3A_178 = arith.constant 0 : i32
      %dma_wait3A_179 = arith.constant 0 : i32
      %dma_wait3A_180 = tpu.memref_slice %arg9[%dma_wait3A_177, %dma_wait3A_178, %dma_wait3A_179] : memref<2x200x16xf32, #tpu.memory_space<vmem>> -> memref<1x200x16xf32, #tpu.memory_space<vmem>>
      %dma_wait3A_181 = tpu.memref_squeeze %dma_wait3A_180 : memref<1x200x16xf32, #tpu.memory_space<vmem>> -> memref<200x16xf32, #tpu.memory_space<vmem>>
      %dma_wait3A_182 = arith.constant 0 : i32
      %dma_wait3A_183 = tpu.memref_slice %arg7[%dma_wait3A_176, %dma_wait3A_182] : memref<50x200xi32, #tpu.memory_space<vmem>> -> memref<1x200xi32, #tpu.memory_space<vmem>>
      %dma_wait3A_184 = tpu.memref_squeeze %dma_wait3A_183 : memref<1x200xi32, #tpu.memory_space<vmem>> -> memref<200xi32, #tpu.memory_space<vmem>>
      %dma_wait3A_185 = arith.constant 0 : i32
      %dma_wait3A_186 = arith.constant 0 : i32
      %dma_wait3A_187 = tpu.memref_slice %arg15[%dma_wait3A_185, %dma_wait3A_186] : memref<10000x16xf32, #tpu.memory_space<vmem_shared>> -> memref<10000x16xf32, #tpu.memory_space<vmem_shared>>
      tpu.wait_indirect_dma semaphore(%arg11 : memref<!tpu.dma_semaphore, #tpu.memory_space<semaphore_mem>>) src(%dma_wait3A_187 : memref<10000x16xf32, #tpu.memory_space<vmem_shared>>) dst(%dma_wait3A_181 : memref<200x16xf32, #tpu.memory_space<vmem>>)
      %dma_start3A_188 = arith.constant 0 : i32
      %dma_start3A_189 = arith.constant 0 : i32
      %dma_start3A_190 = arith.constant 0 : i32
      %dma_start3A_191 = tpu.memref_slice %arg9[%dma_start3A_188, %dma_start3A_189, %dma_start3A_190] : memref<2x200x16xf32, #tpu.memory_space<vmem>> -> memref<1x200x16xf32, #tpu.memory_space<vmem>>
      %dma_start3A_192 = tpu.memref_squeeze %dma_start3A_191 : memref<1x200x16xf32, #tpu.memory_space<vmem>> -> memref<200x16xf32, #tpu.memory_space<vmem>>
      %dma_start3A_193 = arith.constant 0 : i32
      %dma_start3A_194 = tpu.memref_slice %arg8[%add3A_175, %dma_start3A_193] : memref<50x200xi32, #tpu.memory_space<vmem>> -> memref<1x200xi32, #tpu.memory_space<vmem>>
      %dma_start3A_195 = tpu.memref_squeeze %dma_start3A_194 : memref<1x200xi32, #tpu.memory_space<vmem>> -> memref<200xi32, #tpu.memory_space<vmem>>
      %dma_start3A_196 = arith.constant 0 : i32
      %dma_start3A_197 = arith.constant 0 : i32
      %dma_start3A_198 = tpu.memref_slice %arg10[%dma_start3A_196, %dma_start3A_197] : memref<10000x16xf32, #tpu.memory_space<vmem_shared>> -> memref<10000x16xf32, #tpu.memory_space<vmem_shared>>
      tpu.enqueue_indirect_dma source(%dma_start3A_192 : memref<200x16xf32, #tpu.memory_space<vmem>>) target(%dma_start3A_198 : memref<10000x16xf32, #tpu.memory_space<vmem_shared>>) offsets(%dma_start3A_195 : memref<200xi32, #tpu.memory_space<vmem>>) semaphore(%arg13 : memref<!tpu.dma_semaphore, #tpu.memory_space<semaphore_mem>>) {add = true}
      %dma_wait3A_199 = arith.constant 1 : i32
      %dma_wait3A_200 = arith.constant 0 : i32
      %dma_wait3A_201 = arith.constant 0 : i32
      %dma_wait3A_202 = arith.constant 0 : i32
      %dma_wait3A_203 = tpu.memref_slice %arg9[%dma_wait3A_199, %dma_wait3A_201, %dma_wait3A_202] : memref<2x200x16xf32, #tpu.memory_space<vmem>> -> memref<1x200x16xf32, #tpu.memory_space<vmem>>
      %dma_wait3A_204 = tpu.memref_squeeze %dma_wait3A_203 : memref<1x200x16xf32, #tpu.memory_space<vmem>> -> memref<200x16xf32, #tpu.memory_space<vmem>>
      %dma_wait3A_205 = arith.constant 0 : i32
      %dma_wait3A_206 = tpu.memref_slice %arg8[%dma_wait3A_200, %dma_wait3A_205] : memref<50x200xi32, #tpu.memory_space<vmem>> -> memref<1x200xi32, #tpu.memory_space<vmem>>
      %dma_wait3A_207 = tpu.memref_squeeze %dma_wait3A_206 : memref<1x200xi32, #tpu.memory_space<vmem>> -> memref<200xi32, #tpu.memory_space<vmem>>
      %dma_wait3A_208 = arith.constant 0 : i32
      %dma_wait3A_209 = arith.constant 0 : i32
      %dma_wait3A_210 = tpu.memref_slice %arg10[%dma_wait3A_208, %dma_wait3A_209] : memref<10000x16xf32, #tpu.memory_space<vmem_shared>> -> memref<10000x16xf32, #tpu.memory_space<vmem_shared>>
      tpu.wait_indirect_dma semaphore(%arg14 : memref<!tpu.dma_semaphore, #tpu.memory_space<semaphore_mem>>) src(%dma_wait3A_204 : memref<200x16xf32, #tpu.memory_space<vmem>>) dst(%dma_wait3A_210 : memref<10000x16xf32, #tpu.memory_space<vmem_shared>>)
      %add3A_211 = arith.constant 1 : i32
      %add3A_212 = arith.addi %add3A_175, %add3A_211 : i32
      %dma_start3A_213 = arith.constant 1 : i32
      %dma_start3A_214 = arith.constant 0 : i32
      %dma_start3A_215 = arith.constant 0 : i32
      %dma_start3A_216 = tpu.memref_slice %arg9[%dma_start3A_213, %dma_start3A_214, %dma_start3A_215] : memref<2x200x16xf32, #tpu.memory_space<vmem>> -> memref<1x200x16xf32, #tpu.memory_space<vmem>>
      %dma_start3A_217 = tpu.memref_squeeze %dma_start3A_216 : memref<1x200x16xf32, #tpu.memory_space<vmem>> -> memref<200x16xf32, #tpu.memory_space<vmem>>
      %dma_start3A_218 = arith.constant 0 : i32
      %dma_start3A_219 = tpu.memref_slice %arg7[%add3A_212, %dma_start3A_218] : memref<50x200xi32, #tpu.memory_space<vmem>> -> memref<1x200xi32, #tpu.memory_space<vmem>>
      %dma_start3A_220 = tpu.memref_squeeze %dma_start3A_219 : memref<1x200xi32, #tpu.memory_space<vmem>> -> memref<200xi32, #tpu.memory_space<vmem>>
      %dma_start3A_221 = arith.constant 0 : i32
      %dma_start3A_222 = arith.constant 0 : i32
      %dma_start3A_223 = tpu.memref_slice %arg15[%dma_start3A_221, %dma_start3A_222] : memref<10000x16xf32, #tpu.memory_space<vmem_shared>> -> memref<10000x16xf32, #tpu.memory_space<vmem_shared>>
      tpu.enqueue_indirect_dma source(%dma_start3A_223 : memref<10000x16xf32, #tpu.memory_space<vmem_shared>>) target(%dma_start3A_217 : memref<200x16xf32, #tpu.memory_space<vmem>>) offsets(%dma_start3A_220 : memref<200xi32, #tpu.memory_space<vmem>>) semaphore(%arg12 : memref<!tpu.dma_semaphore, #tpu.memory_space<semaphore_mem>>)
    }
    %scan3A_60 = arith.constant 24 : i32
    %dma_wait3A_61 = arith.constant 0 : i32
    %dma_wait3A_62 = arith.constant 1 : i32
    %dma_wait3A_63 = arith.constant 0 : i32
    %dma_wait3A_64 = arith.constant 0 : i32
    %dma_wait3A_65 = tpu.memref_slice %arg9[%dma_wait3A_62, %dma_wait3A_63, %dma_wait3A_64] : memref<2x200x16xf32, #tpu.memory_space<vmem>> -> memref<1x200x16xf32, #tpu.memory_space<vmem>>
    %dma_wait3A_66 = tpu.memref_squeeze %dma_wait3A_65 : memref<1x200x16xf32, #tpu.memory_space<vmem>> -> memref<200x16xf32, #tpu.memory_space<vmem>>
    %dma_wait3A_67 = arith.constant 0 : i32
    %dma_wait3A_68 = tpu.memref_slice %arg7[%dma_wait3A_61, %dma_wait3A_67] : memref<50x200xi32, #tpu.memory_space<vmem>> -> memref<1x200xi32, #tpu.memory_space<vmem>>
    %dma_wait3A_69 = tpu.memref_squeeze %dma_wait3A_68 : memref<1x200xi32, #tpu.memory_space<vmem>> -> memref<200xi32, #tpu.memory_space<vmem>>
    %dma_wait3A_70 = arith.constant 0 : i32
    %dma_wait3A_71 = arith.constant 0 : i32
    %dma_wait3A_72 = tpu.memref_slice %arg15[%dma_wait3A_70, %dma_wait3A_71] : memref<10000x16xf32, #tpu.memory_space<vmem_shared>> -> memref<10000x16xf32, #tpu.memory_space<vmem_shared>>
    tpu.wait_indirect_dma semaphore(%arg12 : memref<!tpu.dma_semaphore, #tpu.memory_space<semaphore_mem>>) src(%dma_wait3A_72 : memref<10000x16xf32, #tpu.memory_space<vmem_shared>>) dst(%dma_wait3A_66 : memref<200x16xf32, #tpu.memory_space<vmem>>)
    %dma_start3A_73 = arith.constant 1 : i32
    %dma_start3A_74 = arith.constant 49 : i32
    %dma_start3A_75 = arith.constant 0 : i32
    %dma_start3A_76 = arith.constant 0 : i32
    %dma_start3A_77 = tpu.memref_slice %arg9[%dma_start3A_73, %dma_start3A_75, %dma_start3A_76] : memref<2x200x16xf32, #tpu.memory_space<vmem>> -> memref<1x200x16xf32, #tpu.memory_space<vmem>>
    %dma_start3A_78 = tpu.memref_squeeze %dma_start3A_77 : memref<1x200x16xf32, #tpu.memory_space<vmem>> -> memref<200x16xf32, #tpu.memory_space<vmem>>
    %dma_start3A_79 = arith.constant 0 : i32
    %dma_start3A_80 = tpu.memref_slice %arg8[%dma_start3A_74, %dma_start3A_79] : memref<50x200xi32, #tpu.memory_space<vmem>> -> memref<1x200xi32, #tpu.memory_space<vmem>>
    %dma_start3A_81 = tpu.memref_squeeze %dma_start3A_80 : memref<1x200xi32, #tpu.memory_space<vmem>> -> memref<200xi32, #tpu.memory_space<vmem>>
    %dma_start3A_82 = arith.constant 0 : i32
    %dma_start3A_83 = arith.constant 0 : i32
    %dma_start3A_84 = tpu.memref_slice %arg10[%dma_start3A_82, %dma_start3A_83] : memref<10000x16xf32, #tpu.memory_space<vmem_shared>> -> memref<10000x16xf32, #tpu.memory_space<vmem_shared>>
    tpu.enqueue_indirect_dma source(%dma_start3A_78 : memref<200x16xf32, #tpu.memory_space<vmem>>) target(%dma_start3A_84 : memref<10000x16xf32, #tpu.memory_space<vmem_shared>>) offsets(%dma_start3A_81 : memref<200xi32, #tpu.memory_space<vmem>>) semaphore(%arg14 : memref<!tpu.dma_semaphore, #tpu.memory_space<semaphore_mem>>) {add = true}
    %dma_wait3A_85 = arith.constant 0 : i32
    %dma_wait3A_86 = arith.constant 0 : i32
    %dma_wait3A_87 = arith.constant 0 : i32
    %dma_wait3A_88 = arith.constant 0 : i32
    %dma_wait3A_89 = tpu.memref_slice %arg9[%dma_wait3A_85, %dma_wait3A_87, %dma_wait3A_88] : memref<2x200x16xf32, #tpu.memory_space<vmem>> -> memref<1x200x16xf32, #tpu.memory_space<vmem>>
    %dma_wait3A_90 = tpu.memref_squeeze %dma_wait3A_89 : memref<1x200x16xf32, #tpu.memory_space<vmem>> -> memref<200x16xf32, #tpu.memory_space<vmem>>
    %dma_wait3A_91 = arith.constant 0 : i32
    %dma_wait3A_92 = tpu.memref_slice %arg8[%dma_wait3A_86, %dma_wait3A_91] : memref<50x200xi32, #tpu.memory_space<vmem>> -> memref<1x200xi32, #tpu.memory_space<vmem>>
    %dma_wait3A_93 = tpu.memref_squeeze %dma_wait3A_92 : memref<1x200xi32, #tpu.memory_space<vmem>> -> memref<200xi32, #tpu.memory_space<vmem>>
    %dma_wait3A_94 = arith.constant 0 : i32
    %dma_wait3A_95 = arith.constant 0 : i32
    %dma_wait3A_96 = tpu.memref_slice %arg10[%dma_wait3A_94, %dma_wait3A_95] : memref<10000x16xf32, #tpu.memory_space<vmem_shared>> -> memref<10000x16xf32, #tpu.memory_space<vmem_shared>>
    tpu.wait_indirect_dma semaphore(%arg13 : memref<!tpu.dma_semaphore, #tpu.memory_space<semaphore_mem>>) src(%dma_wait3A_90 : memref<200x16xf32, #tpu.memory_space<vmem>>) dst(%dma_wait3A_96 : memref<10000x16xf32, #tpu.memory_space<vmem_shared>>)
    %dma_wait3A_97 = arith.constant 1 : i32
    %dma_wait3A_98 = arith.constant 0 : i32
    %dma_wait3A_99 = arith.constant 0 : i32
    %dma_wait3A_100 = arith.constant 0 : i32
    %dma_wait3A_101 = tpu.memref_slice %arg9[%dma_wait3A_97, %dma_wait3A_99, %dma_wait3A_100] : memref<2x200x16xf32, #tpu.memory_space<vmem>> -> memref<1x200x16xf32, #tpu.memory_space<vmem>>
    %dma_wait3A_102 = tpu.memref_squeeze %dma_wait3A_101 : memref<1x200x16xf32, #tpu.memory_space<vmem>> -> memref<200x16xf32, #tpu.memory_space<vmem>>
    %dma_wait3A_103 = arith.constant 0 : i32
    %dma_wait3A_104 = tpu.memref_slice %arg8[%dma_wait3A_98, %dma_wait3A_103] : memref<50x200xi32, #tpu.memory_space<vmem>> -> memref<1x200xi32, #tpu.memory_space<vmem>>
    %dma_wait3A_105 = tpu.memref_squeeze %dma_wait3A_104 : memref<1x200xi32, #tpu.memory_space<vmem>> -> memref<200xi32, #tpu.memory_space<vmem>>
    %dma_wait3A_106 = arith.constant 0 : i32
    %dma_wait3A_107 = arith.constant 0 : i32
    %dma_wait3A_108 = tpu.memref_slice %arg10[%dma_wait3A_106, %dma_wait3A_107] : memref<10000x16xf32, #tpu.memory_space<vmem_shared>> -> memref<10000x16xf32, #tpu.memory_space<vmem_shared>>
    tpu.wait_indirect_dma semaphore(%arg14 : memref<!tpu.dma_semaphore, #tpu.memory_space<semaphore_mem>>) src(%dma_wait3A_102 : memref<200x16xf32, #tpu.memory_space<vmem>>) dst(%dma_wait3A_108 : memref<10000x16xf32, #tpu.memory_space<vmem_shared>>)
    %barrier3A_109 = arith.constant 0 : index
    tpu.barrier barrier_id(%barrier3A_109)
    "tpu.region"() ({
      %run_scoped3A = tpu.sem_alloc : memref<!tpu.dma_semaphore, #tpu.memory_space<semaphore_mem>>
      %dma_start3A_115 = arith.constant 0 : i32
      %dma_start3A_116 = arith.constant 0 : i32
      %dma_start3A_117 = tpu.memref_slice %arg6[%arg0, %dma_start3A_115, %dma_start3A_116] : memref<2x10000x16xf32, #tpu.memory_space<hbm>> -> memref<1x10000x16xf32, #tpu.memory_space<hbm>>
      %dma_start3A_118 = tpu.memref_squeeze %dma_start3A_117 : memref<1x10000x16xf32, #tpu.memory_space<hbm>> -> memref<10000x16xf32, #tpu.memory_space<hbm>>
      %dma_start3A_119 = arith.constant 0 : i32
      %dma_start3A_120 = tpu.memref_slice %dma_start3A_118[%mul3A_2, %dma_start3A_119] : memref<10000x16xf32, #tpu.memory_space<hbm>> -> memref<624x16xf32, #tpu.memory_space<hbm>>
      %dma_start3A_121 = arith.constant 0 : i32
      %dma_start3A_122 = tpu.memref_slice %arg10[%mul3A_2, %dma_start3A_121] : memref<10000x16xf32, #tpu.memory_space<vmem_shared>> -> memref<624x16xf32, #tpu.memory_space<vmem_shared>>
      tpu.enqueue_dma source(%dma_start3A_122 : memref<624x16xf32, #tpu.memory_space<vmem_shared>>) target(%dma_start3A_120 : memref<624x16xf32, #tpu.memory_space<hbm>>) target_semaphore(%run_scoped3A : memref<!tpu.dma_semaphore, #tpu.memory_space<semaphore_mem>>)
      %dma_wait3A_123 = arith.constant 0 : i32
      %dma_wait3A_124 = arith.constant 0 : i32
      %dma_wait3A_125 = tpu.memref_slice %arg6[%arg0, %dma_wait3A_123, %dma_wait3A_124] : memref<2x10000x16xf32, #tpu.memory_space<hbm>> -> memref<1x10000x16xf32, #tpu.memory_space<hbm>>
      %dma_wait3A_126 = tpu.memref_squeeze %dma_wait3A_125 : memref<1x10000x16xf32, #tpu.memory_space<hbm>> -> memref<10000x16xf32, #tpu.memory_space<hbm>>
      %dma_wait3A_127 = arith.constant 0 : i32
      %dma_wait3A_128 = tpu.memref_slice %dma_wait3A_126[%mul3A_2, %dma_wait3A_127] : memref<10000x16xf32, #tpu.memory_space<hbm>> -> memref<624x16xf32, #tpu.memory_space<hbm>>
      %dma_wait3A_129 = arith.constant 0 : i32
      %dma_wait3A_130 = tpu.memref_slice %arg10[%mul3A_2, %dma_wait3A_129] : memref<10000x16xf32, #tpu.memory_space<vmem_shared>> -> memref<624x16xf32, #tpu.memory_space<vmem_shared>>
      tpu.wait_dma2 semaphore(%run_scoped3A : memref<!tpu.dma_semaphore, #tpu.memory_space<semaphore_mem>>) src(%dma_wait3A_130 : memref<624x16xf32, #tpu.memory_space<vmem_shared>>) dst(%dma_wait3A_128 : memref<624x16xf32, #tpu.memory_space<hbm>>)
      tpu.yield
    }) : () -> ()
    %eq3A_110 = arith.constant 0 : i32
    %eq3A_111 = arith.cmpi eq, %arg1, %eq3A_110 : i32
    %convert_element_type3A_112 = arith.extui %eq3A_111 : i1 to i32
    %cond3A_113 = arith.constant 0 : i32
    %cond3A_114 = arith.cmpi ne, %convert_element_type3A_112, %cond3A_113 : i32
    scf.if %cond3A_114 {
      "tpu.region"() ({
        %run_scoped3A = tpu.sem_alloc : memref<!tpu.dma_semaphore, #tpu.memory_space<semaphore_mem>>
        %dma_start3A_115 = arith.constant 0 : i32
        %dma_start3A_116 = arith.constant 0 : i32
        %dma_start3A_117 = tpu.memref_slice %arg6[%arg0, %dma_start3A_115, %dma_start3A_116] : memref<2x10000x16xf32, #tpu.memory_space<hbm>> -> memref<1x10000x16xf32, #tpu.memory_space<hbm>>
        %dma_start3A_118 = tpu.memref_squeeze %dma_start3A_117 : memref<1x10000x16xf32, #tpu.memory_space<hbm>> -> memref<10000x16xf32, #tpu.memory_space<hbm>>
        %dma_start3A_119 = arith.constant 9984 : i32
        %dma_start3A_120 = arith.constant 0 : i32
        %dma_start3A_121 = tpu.memref_slice %dma_start3A_118[%dma_start3A_119, %dma_start3A_120] : memref<10000x16xf32, #tpu.memory_space<hbm>> -> memref<16x16xf32, #tpu.memory_space<hbm>>
        %dma_start3A_122 = arith.constant 9984 : i32
        %dma_start3A_123 = arith.constant 0 : i32
        %dma_start3A_124 = tpu.memref_slice %arg10[%dma_start3A_122, %dma_start3A_123] : memref<10000x16xf32, #tpu.memory_space<vmem_shared>> -> memref<16x16xf32, #tpu.memory_space<vmem_shared>>
        tpu.enqueue_dma source(%dma_start3A_124 : memref<16x16xf32, #tpu.memory_space<vmem_shared>>) target(%dma_start3A_121 : memref<16x16xf32, #tpu.memory_space<hbm>>) target_semaphore(%run_scoped3A : memref<!tpu.dma_semaphore, #tpu.memory_space<semaphore_mem>>)
        %dma_wait3A_125 = arith.constant 0 : i32
        %dma_wait3A_126 = arith.constant 0 : i32
        %dma_wait3A_127 = tpu.memref_slice %arg6[%arg0, %dma_wait3A_125, %dma_wait3A_126] : memref<2x10000x16xf32, #tpu.memory_space<hbm>> -> memref<1x10000x16xf32, #tpu.memory_space<hbm>>
        %dma_wait3A_128 = tpu.memref_squeeze %dma_wait3A_127 : memref<1x10000x16xf32, #tpu.memory_space<hbm>> -> memref<10000x16xf32, #tpu.memory_space<hbm>>
        %dma_wait3A_129 = arith.constant 9984 : i32
        %dma_wait3A_130 = arith.constant 0 : i32
        %dma_wait3A_131 = tpu.memref_slice %dma_wait3A_128[%dma_wait3A_129, %dma_wait3A_130] : memref<10000x16xf32, #tpu.memory_space<hbm>> -> memref<16x16xf32, #tpu.memory_space<hbm>>
        %dma_wait3A_132 = arith.constant 9984 : i32
        %dma_wait3A_133 = arith.constant 0 : i32
        %dma_wait3A_134 = tpu.memref_slice %arg10[%dma_wait3A_132, %dma_wait3A_133] : memref<10000x16xf32, #tpu.memory_space<vmem_shared>> -> memref<16x16xf32, #tpu.memory_space<vmem_shared>>
        tpu.wait_dma2 semaphore(%run_scoped3A : memref<!tpu.dma_semaphore, #tpu.memory_space<semaphore_mem>>) src(%dma_wait3A_134 : memref<16x16xf32, #tpu.memory_space<vmem_shared>>) dst(%dma_wait3A_131 : memref<16x16xf32, #tpu.memory_space<hbm>>)
        tpu.yield
      }) : () -> ()
    } else {
    }
    return
  }
}

module attributes {stable_mosaic.version = 14 : i64} {
  func.func @body(%arg0: i32, %arg1: memref<1000x128xf32, #tpu.memory_space<vmem>>, %arg2: memref<128x64xf32, #tpu.memory_space<vmem>>, %arg3: memref<128x72xf32, #tpu.memory_space<vmem>>, %arg4: memref<1x64xf32, #tpu.memory_space<vmem>>, %arg5: memref<1x72xf32, #tpu.memory_space<vmem>>, %arg6: memref<1000x64xf32, #tpu.memory_space<vmem>>, %arg7: memref<1000x72xf32, #tpu.memory_space<vmem>>) attributes {dimension_semantics = [#tpu.dimension_semantics<arbitrary>], iteration_bounds = array<i64: 10>, scalar_prefetch = 0 : i64, scratch_operands = 0 : i64, tpu.core_type = #tpu.core_type<tc>, window_params = [{transform_indices = @transform_0, window_bounds = array<i64: 1000, 128>}, {pipeline_mode = #tpu.pipeline_mode<synchronous>, transform_indices = @transform_1, window_bounds = array<i64: 128, 64>}, {pipeline_mode = #tpu.pipeline_mode<synchronous>, transform_indices = @transform_2, window_bounds = array<i64: 128, 72>}, {pipeline_mode = #tpu.pipeline_mode<synchronous>, transform_indices = @transform_3, window_bounds = array<i64: 1, 64>}, {pipeline_mode = #tpu.pipeline_mode<synchronous>, transform_indices = @transform_4, window_bounds = array<i64: 1, 72>}, {transform_indices = @transform_5, window_bounds = array<i64: 1000, 64>}, {transform_indices = @transform_6, window_bounds = array<i64: 1000, 72>}]} {
    %get3A = arith.constant 0 : index
    %get3A_0 = arith.constant 0 : index
    %get3A_1 = vector.load %arg1[%get3A, %get3A_0] : memref<1000x128xf32, #tpu.memory_space<vmem>>, vector<1000x128xf32>
    %get3A_2 = arith.constant 0 : index
    %get3A_3 = arith.constant 0 : index
    %get3A_4 = vector.load %arg2[%get3A_2, %get3A_3] : memref<128x64xf32, #tpu.memory_space<vmem>>, vector<128x64xf32>
    %dot_general3A = arith.constant dense<0.000000e+00> : vector<1000x64xf32>
    %dot_general3A_5 = tpu.matmul %get3A_1, %get3A_4, %dot_general3A {dimension_numbers = #tpu.dot_dimension_numbers<[1], [0], [0], [1], [0, 0, 1, 1], [], []>, transpose_lhs_hint = false} : vector<1000x128xf32>, vector<128x64xf32>, vector<1000x64xf32> -> vector<1000x64xf32>
    %get3A_6 = arith.constant 0 : index
    %get3A_7 = arith.constant 0 : index
    %get3A_8 = vector.load %arg4[%get3A_6, %get3A_7] : memref<1x64xf32, #tpu.memory_space<vmem>>, vector<1x64xf32>
    %add3A = vector.broadcast %get3A_8 : vector<1x64xf32> to vector<1000x64xf32>
    %add3A_9 = arith.addf %dot_general3A_5, %add3A : vector<1000x64xf32>
    %swap3A = arith.constant 0 : index
    %swap3A_10 = arith.constant 0 : index
    %swap3A_11 = vector.load %arg6[%swap3A, %swap3A_10] : memref<1000x64xf32, #tpu.memory_space<vmem>>, vector<1000x64xf32>
    tpu.vector_store %arg6[%swap3A, %swap3A_10], %add3A_9 {strides = array<i32>} : memref<1000x64xf32, #tpu.memory_space<vmem>>, vector<1000x64xf32>,
    %get3A_12 = arith.constant 0 : index
    %get3A_13 = arith.constant 0 : index
    %get3A_14 = vector.load %arg3[%get3A_12, %get3A_13] : memref<128x72xf32, #tpu.memory_space<vmem>>, vector<128x72xf32>
    %dot_general3A_15 = arith.constant dense<0.000000e+00> : vector<1000x72xf32>
    %dot_general3A_16 = tpu.matmul %get3A_1, %get3A_14, %dot_general3A_15 {dimension_numbers = #tpu.dot_dimension_numbers<[1], [0], [0], [1], [0, 0, 1, 1], [], []>, transpose_lhs_hint = false} : vector<1000x128xf32>, vector<128x72xf32>, vector<1000x72xf32> -> vector<1000x72xf32>
    %get3A_17 = arith.constant 0 : index
    %get3A_18 = arith.constant 0 : index
    %get3A_19 = vector.load %arg5[%get3A_17, %get3A_18] : memref<1x72xf32, #tpu.memory_space<vmem>>, vector<1x72xf32>
    %add3A_20 = vector.broadcast %get3A_19 : vector<1x72xf32> to vector<1000x72xf32>
    %add3A_21 = arith.addf %dot_general3A_16, %add3A_20 : vector<1000x72xf32>
    %swap3A_22 = arith.constant 0 : index
    %swap3A_23 = arith.constant 0 : index
    %swap3A_24 = vector.load %arg7[%swap3A_22, %swap3A_23] : memref<1000x72xf32, #tpu.memory_space<vmem>>, vector<1000x72xf32>
    tpu.vector_store %arg7[%swap3A_22, %swap3A_23], %add3A_21 {strides = array<i32>} : memref<1000x72xf32, #tpu.memory_space<vmem>>, vector<1000x72xf32>,
    return
  }
  func.func @transform_0(%arg0: i32) -> (i32, i32) {
    %c0_i32 = arith.constant 0 : i32
    %c0_i32_0 = arith.constant 0 : i32
    return %arg0, %c0_i32 : i32, i32
  }
  func.func @transform_1(%arg0: i32) -> (i32, i32) {
    %c0_i32 = arith.constant 0 : i32
    %c0_i32_0 = arith.constant 0 : i32
    %c0_i32_1 = arith.constant 0 : i32
    return %c0_i32, %c0_i32_0 : i32, i32
  }
  func.func @transform_2(%arg0: i32) -> (i32, i32) {
    %c0_i32 = arith.constant 0 : i32
    %c0_i32_0 = arith.constant 0 : i32
    %c0_i32_1 = arith.constant 0 : i32
    return %c0_i32, %c0_i32_0 : i32, i32
  }
  func.func @transform_3(%arg0: i32) -> (i32, i32) {
    %c0_i32 = arith.constant 0 : i32
    %c0_i32_0 = arith.constant 0 : i32
    %c0_i32_1 = arith.constant 0 : i32
    return %c0_i32, %c0_i32_0 : i32, i32
  }
  func.func @transform_4(%arg0: i32) -> (i32, i32) {
    %c0_i32 = arith.constant 0 : i32
    %c0_i32_0 = arith.constant 0 : i32
    %c0_i32_1 = arith.constant 0 : i32
    return %c0_i32, %c0_i32_0 : i32, i32
  }
  func.func @transform_5(%arg0: i32) -> (i32, i32) {
    %c0_i32 = arith.constant 0 : i32
    %c0_i32_0 = arith.constant 0 : i32
    return %arg0, %c0_i32 : i32, i32
  }
  func.func @transform_6(%arg0: i32) -> (i32, i32) {
    %c0_i32 = arith.constant 0 : i32
    %c0_i32_0 = arith.constant 0 : i32
    return %arg0, %c0_i32 : i32, i32
  }
}

module attributes {stable_mosaic.version = 14 : i64} {
  func.func @body(%arg0: i32, %arg1: memref<1000x64xf32, #tpu.memory_space<vmem>>, %arg2: memref<2x1000x72xf32, #tpu.memory_space<vmem>>, %arg3: memref<64x2xf32, #tpu.memory_space<vmem>>, %arg4: memref<1x2xf32, #tpu.memory_space<vmem>>, %arg5: memref<64x16xf32, #tpu.memory_space<vmem>>, %arg6: memref<1000x2xf32, #tpu.memory_space<vmem>>, %arg7: memref<1000x16xf32, #tpu.memory_space<vmem>>, %arg8: memref<1000x16xf32, #tpu.memory_space<vmem>>) attributes {dimension_semantics = [#tpu.dimension_semantics<arbitrary>], iteration_bounds = array<i64: 10>, scalar_prefetch = 0 : i64, scratch_operands = 0 : i64, tpu.core_type = #tpu.core_type<tc>, window_params = [{transform_indices = @transform_0, window_bounds = array<i64: 1000, 64>}, {transform_indices = @transform_1, window_bounds = array<i64: 2, 1000, 72>}, {pipeline_mode = #tpu.pipeline_mode<synchronous>, transform_indices = @transform_2, window_bounds = array<i64: 64, 2>}, {pipeline_mode = #tpu.pipeline_mode<synchronous>, transform_indices = @transform_3, window_bounds = array<i64: 1, 2>}, {pipeline_mode = #tpu.pipeline_mode<synchronous>, transform_indices = @transform_4, window_bounds = array<i64: 64, 16>}, {transform_indices = @transform_5, window_bounds = array<i64: 1000, 2>}, {transform_indices = @transform_6, window_bounds = array<i64: 1000, 16>}, {transform_indices = @transform_7, window_bounds = array<i64: 1000, 16>}]} {
    %get3A = arith.constant 0 : index
    %get3A_0 = arith.constant 0 : index
    %get3A_1 = arith.constant 0 : index
    %get3A_2 = vector.load %arg2[%get3A, %get3A_0, %get3A_1] : memref<2x1000x72xf32, #tpu.memory_space<vmem>>, vector<2x1000x72xf32>
    %slice3A = vector.extract_strided_slice %get3A_2 {offsets = [0, 0, 0], sizes = [1, 1000, 72], strides = [1, 1, 1]} : vector<2x1000x72xf32> to vector<1x1000x72xf32>
    %squeeze3A = vector.shape_cast %slice3A : vector<1x1000x72xf32> to vector<1000x72xf32>
    %slice3A_3 = vector.extract_strided_slice %get3A_2 {offsets = [1, 0, 0], sizes = [1, 1000, 72], strides = [1, 1, 1]} : vector<2x1000x72xf32> to vector<1x1000x72xf32>
    %squeeze3A_4 = vector.shape_cast %slice3A_3 : vector<1x1000x72xf32> to vector<1000x72xf32>
    %add3A = arith.addf %squeeze3A, %squeeze3A_4 : vector<1000x72xf32>
    %slice3A_5 = vector.extract_strided_slice %add3A {offsets = [0, 64], sizes = [1000, 1], strides = [1, 1]} : vector<1000x72xf32> to vector<1000x1xf32>
    %max3A = arith.constant 1.000000e+00 : f32
    %max3A_6 = vector.broadcast %max3A : f32 to vector<1000x1xf32>
    %max3A_7 = arith.maximumf %slice3A_5, %max3A_6 : vector<1000x1xf32>
    %div3A = arith.constant 1.000000e+00 : f32
    %div3A_8 = vector.broadcast %div3A : f32 to vector<1000x1xf32>
    %div3A_9 = arith.divf %div3A_8, %max3A_7 : vector<1000x1xf32>
    %get3A_10 = arith.constant 0 : index
    %get3A_11 = arith.constant 0 : index
    %get3A_12 = vector.load %arg1[%get3A_10, %get3A_11] : memref<1000x64xf32, #tpu.memory_space<vmem>>, vector<1000x64xf32>
    %slice3A_13 = vector.extract_strided_slice %add3A {offsets = [0, 0], sizes = [1000, 64], strides = [1, 1]} : vector<1000x72xf32> to vector<1000x64xf32>
    %mul3A = vector.broadcast %div3A_9 : vector<1000x1xf32> to vector<1000x64xf32>
    %mul3A_14 = arith.mulf %slice3A_13, %mul3A : vector<1000x64xf32>
    %add3A_15 = arith.addf %get3A_12, %mul3A_14 : vector<1000x64xf32>
    %max3A_16 = arith.constant 0.000000e+00 : f32
    %max3A_17 = vector.broadcast %max3A_16 : f32 to vector<1000x64xf32>
    %max3A_18 = arith.maximumf %add3A_15, %max3A_17 : vector<1000x64xf32>
    %get3A_19 = arith.constant 0 : index
    %get3A_20 = arith.constant 0 : index
    %get3A_21 = vector.load %arg3[%get3A_19, %get3A_20] : memref<64x2xf32, #tpu.memory_space<vmem>>, vector<64x2xf32>
    %dot_general3A = arith.constant dense<0.000000e+00> : vector<1000x2xf32>
    %dot_general3A_22 = tpu.matmul %max3A_18, %get3A_21, %dot_general3A {dimension_numbers = #tpu.dot_dimension_numbers<[1], [0], [0], [1], [0, 0, 1, 1], [], []>, transpose_lhs_hint = false} : vector<1000x64xf32>, vector<64x2xf32>, vector<1000x2xf32> -> vector<1000x2xf32>
    %get3A_23 = arith.constant 0 : index
    %get3A_24 = arith.constant 0 : index
    %get3A_25 = vector.load %arg4[%get3A_23, %get3A_24] : memref<1x2xf32, #tpu.memory_space<vmem>>, vector<1x2xf32>
    %add3A_26 = vector.broadcast %get3A_25 : vector<1x2xf32> to vector<1000x2xf32>
    %add3A_27 = arith.addf %dot_general3A_22, %add3A_26 : vector<1000x2xf32>
    %swap3A = arith.constant 0 : index
    %swap3A_28 = arith.constant 0 : index
    %swap3A_29 = vector.load %arg6[%swap3A, %swap3A_28] : memref<1000x2xf32, #tpu.memory_space<vmem>>, vector<1000x2xf32>
    tpu.vector_store %arg6[%swap3A, %swap3A_28], %add3A_27 {strides = array<i32>} : memref<1000x2xf32, #tpu.memory_space<vmem>>, vector<1000x2xf32>,
    %get3A_30 = arith.constant 0 : index
    %get3A_31 = arith.constant 0 : index
    %get3A_32 = vector.load %arg5[%get3A_30, %get3A_31] : memref<64x16xf32, #tpu.memory_space<vmem>>, vector<64x16xf32>
    %dot_general3A_33 = arith.constant dense<0.000000e+00> : vector<1000x16xf32>
    %dot_general3A_34 = tpu.matmul %max3A_18, %get3A_32, %dot_general3A_33 {dimension_numbers = #tpu.dot_dimension_numbers<[1], [0], [0], [1], [0, 0, 1, 1], [], []>, transpose_lhs_hint = false} : vector<1000x64xf32>, vector<64x16xf32>, vector<1000x16xf32> -> vector<1000x16xf32>
    %swap3A_35 = arith.constant 0 : index
    %swap3A_36 = arith.constant 0 : index
    %swap3A_37 = vector.load %arg7[%swap3A_35, %swap3A_36] : memref<1000x16xf32, #tpu.memory_space<vmem>>, vector<1000x16xf32>
    tpu.vector_store %arg7[%swap3A_35, %swap3A_36], %dot_general3A_34 {strides = array<i32>} : memref<1000x16xf32, #tpu.memory_space<vmem>>, vector<1000x16xf32>,
    %broadcast_in_dim3A = vector.shape_cast %div3A_9 : vector<1000x1xf32> to vector<1000x1xf32>
    %broadcast_in_dim3A_38 = vector.broadcast %broadcast_in_dim3A : vector<1000x1xf32> to vector<1000x16xf32>
    %swap3A_39 = arith.constant 0 : index
    %swap3A_40 = arith.constant 0 : index
    %swap3A_41 = vector.load %arg8[%swap3A_39, %swap3A_40] : memref<1000x16xf32, #tpu.memory_space<vmem>>, vector<1000x16xf32>
    tpu.vector_store %arg8[%swap3A_39, %swap3A_40], %broadcast_in_dim3A_38 {strides = array<i32>} : memref<1000x16xf32, #tpu.memory_space<vmem>>, vector<1000x16xf32>,
    return
  }
  func.func @transform_0(%arg0: i32) -> (i32, i32) {
    %c0_i32 = arith.constant 0 : i32
    %c0_i32_0 = arith.constant 0 : i32
    return %arg0, %c0_i32 : i32, i32
  }
  func.func @transform_1(%arg0: i32) -> (i32, i32, i32) {
    %c0_i32 = arith.constant 0 : i32
    %c0_i32_0 = arith.constant 0 : i32
    %c0_i32_1 = arith.constant 0 : i32
    return %c0_i32, %arg0, %c0_i32_0 : i32, i32, i32
  }
  func.func @transform_2(%arg0: i32) -> (i32, i32) {
    %c0_i32 = arith.constant 0 : i32
    %c0_i32_0 = arith.constant 0 : i32
    %c0_i32_1 = arith.constant 0 : i32
    return %c0_i32, %c0_i32_0 : i32, i32
  }
  func.func @transform_3(%arg0: i32) -> (i32, i32) {
    %c0_i32 = arith.constant 0 : i32
    %c0_i32_0 = arith.constant 0 : i32
    %c0_i32_1 = arith.constant 0 : i32
    return %c0_i32, %c0_i32_0 : i32, i32
  }
  func.func @transform_4(%arg0: i32) -> (i32, i32) {
    %c0_i32 = arith.constant 0 : i32
    %c0_i32_0 = arith.constant 0 : i32
    %c0_i32_1 = arith.constant 0 : i32
    return %c0_i32, %c0_i32_0 : i32, i32
  }
  func.func @transform_5(%arg0: i32) -> (i32, i32) {
    %c0_i32 = arith.constant 0 : i32
    %c0_i32_0 = arith.constant 0 : i32
    return %arg0, %c0_i32 : i32, i32
  }
  func.func @transform_6(%arg0: i32) -> (i32, i32) {
    %c0_i32 = arith.constant 0 : i32
    %c0_i32_0 = arith.constant 0 : i32
    return %arg0, %c0_i32 : i32, i32
  }
  func.func @transform_7(%arg0: i32) -> (i32, i32) {
    %c0_i32 = arith.constant 0 : i32
    %c0_i32_0 = arith.constant 0 : i32
    return %arg0, %c0_i32 : i32, i32
  }
}

module attributes {stable_mosaic.version = 14 : i64} {
  func.func @body(%arg0: i32, %arg1: memref<1000x2xf32, #tpu.memory_space<vmem>>, %arg2: memref<2x1000x16xf32, #tpu.memory_space<vmem>>, %arg3: memref<1000x16xf32, #tpu.memory_space<vmem>>, %arg4: memref<1000x2xf32, #tpu.memory_space<vmem>>) attributes {dimension_semantics = [#tpu.dimension_semantics<arbitrary>], iteration_bounds = array<i64: 10>, scalar_prefetch = 0 : i64, scratch_operands = 0 : i64, tpu.core_type = #tpu.core_type<tc>, window_params = [{transform_indices = @transform_0, window_bounds = array<i64: 1000, 2>}, {transform_indices = @transform_1, window_bounds = array<i64: 2, 1000, 16>}, {transform_indices = @transform_2, window_bounds = array<i64: 1000, 16>}, {transform_indices = @transform_3, window_bounds = array<i64: 1000, 2>}]} {
    %get3A = arith.constant 0 : index
    %get3A_0 = arith.constant 0 : index
    %get3A_1 = arith.constant 0 : index
    %get3A_2 = vector.load %arg2[%get3A, %get3A_0, %get3A_1] : memref<2x1000x16xf32, #tpu.memory_space<vmem>>, vector<2x1000x16xf32>
    %slice3A = vector.extract_strided_slice %get3A_2 {offsets = [0, 0, 0], sizes = [1, 1000, 16], strides = [1, 1, 1]} : vector<2x1000x16xf32> to vector<1x1000x16xf32>
    %squeeze3A = vector.shape_cast %slice3A : vector<1x1000x16xf32> to vector<1000x16xf32>
    %slice3A_3 = vector.extract_strided_slice %get3A_2 {offsets = [1, 0, 0], sizes = [1, 1000, 16], strides = [1, 1, 1]} : vector<2x1000x16xf32> to vector<1x1000x16xf32>
    %squeeze3A_4 = vector.shape_cast %slice3A_3 : vector<1x1000x16xf32> to vector<1000x16xf32>
    %add3A = arith.addf %squeeze3A, %squeeze3A_4 : vector<1000x16xf32>
    %get3A_5 = arith.constant 0 : index
    %get3A_6 = arith.constant 0 : index
    %get3A_7 = vector.load %arg1[%get3A_5, %get3A_6] : memref<1000x2xf32, #tpu.memory_space<vmem>>, vector<1000x2xf32>
    %slice3A_8 = vector.extract_strided_slice %add3A {offsets = [0, 0], sizes = [1000, 2], strides = [1, 1]} : vector<1000x16xf32> to vector<1000x2xf32>
    %get3A_9 = arith.constant 0 : index
    %get3A_10 = arith.constant 0 : index
    %get3A_11 = vector.load %arg3[%get3A_9, %get3A_10] : memref<1000x16xf32, #tpu.memory_space<vmem>>, vector<1000x16xf32>
    %slice3A_12 = vector.extract_strided_slice %get3A_11 {offsets = [0, 0], sizes = [1000, 2], strides = [1, 1]} : vector<1000x16xf32> to vector<1000x2xf32>
    %mul3A = arith.mulf %slice3A_8, %slice3A_12 : vector<1000x2xf32>
    %add3A_13 = arith.addf %get3A_7, %mul3A : vector<1000x2xf32>
    %swap3A = arith.constant 0 : index
    %swap3A_14 = arith.constant 0 : index
    %swap3A_15 = vector.load %arg4[%swap3A, %swap3A_14] : memref<1000x2xf32, #tpu.memory_space<vmem>>, vector<1000x2xf32>
    tpu.vector_store %arg4[%swap3A, %swap3A_14], %add3A_13 {strides = array<i32>} : memref<1000x2xf32, #tpu.memory_space<vmem>>, vector<1000x2xf32>,
    return
  }
  func.func @transform_0(%arg0: i32) -> (i32, i32) {
    %c0_i32 = arith.constant 0 : i32
    %c0_i32_0 = arith.constant 0 : i32
    return %arg0, %c0_i32 : i32, i32
  }
  func.func @transform_1(%arg0: i32) -> (i32, i32, i32) {
    %c0_i32 = arith.constant 0 : i32
    %c0_i32_0 = arith.constant 0 : i32
    %c0_i32_1 = arith.constant 0 : i32
    return %c0_i32, %arg0, %c0_i32_0 : i32, i32, i32
  }
  func.func @transform_2(%arg0: i32) -> (i32, i32) {
    %c0_i32 = arith.constant 0 : i32
    %c0_i32_0 = arith.constant 0 : i32
    return %arg0, %c0_i32 : i32, i32
  }
  func.func @transform_3(%arg0: i32) -> (i32, i32) {
    %c0_i32 = arith.constant 0 : i32
    %c0_i32_0 = arith.constant 0 : i32
    return %arg0, %c0_i32 : i32, i32
  }
}

</mosaic_0001>

<sc_bundles>
// kernel: kernel.10.cloned.1.call-start
scs
__scs_entry_jumppad:
0x0: {  	(pc) =	sbr.rel $0x88, $3  }
0x1: {  	(tag) =	ssettag $0x0;
	lr =	simm.s32 $0x1  }
0x2: {  	[smem:$0x3F9B] =	sst lr;
	_ =	strace $0xD0000000  }
0x3: {  	_ = 	snop  }
0x4: {  	_ = 	snop  }
0x5: {  	_ = 	snop  }
0x6: {  	_ = 	snop  }
0x7: {  	_ = 	snop  }
__scs_overlays_trampoline_lowered:
0x8: {  	[smem:$0x3FAA] =	sst s0  }
0x9: {  	[smem:$0x3FAB] =	sst s1  }
0xa: {  	[smem:$0x3FAC] =	sst s2  }
0xb: {  	[smem:$0x3FAD] =	sst s3  }
0xc: {  	[smem:$0x3FAE] =	sst s4  }
0xd: {  	[smem:$0x3FAF] =	sst s5  }
0xe: {  	[smem:$0x3FB0] =	sst s6  }
0xf: {  	[smem:$0x3FB1] =	sst s7  }
0x10: {  	[smem:$0x3FB2] =	sst s8  }
0x11: {  	[smem:$0x3FB3] =	sst s9;
	s0 =	simm.s32 @!p0 $0x0  }
0x12: {  	s1 =	sld [smem:$0x3F99];
	s0 =	simm.s32 @p0 $0x1  }
0x13: {  	[smem:$0x3FB4] =	sst s0;
	s0 =	simm.s32 @!p1 $0x0  }
0x14: {  	s2 =	sld [smem:$0x3F98];
	s0 =	simm.s32 @p1 $0x1  }
0x15: {  	[smem:$0x3FB5] =	sst s0;
	s0 =	simm.s32 @!p2 $0x0  }
0x16: {  	s3 =	sld [smem:$0x3FDB];
	s0 =	simm.s32 @p2 $0x1  }
0x17: {  	s4 =	simm.s32 $0x1BF5;
	[smem:$0x3FB7] =	sst s0  }
0x18: {  	s0 =	sld [smem:$0x3F9A];
	_ =	swait.ge [sflag:s4], $0x0  }
0x19: {  	s7 =	sld [smem:$0x3F9B]  }
0x1a: {  	s8 =	sadd.s32 $0xFFFFE003, lr  }
0x1b: {  	s9 =	sadd.s32 $0xFFFFFEF7, lr;
	s5 =	simm.s32 $0xFFFFFFFF;
	p2 =	slt.u32 s8, $0xFFFFF086  }
0x1c: {  	p1 =	slt.u32 s9, $0xF7A;
	s5 =	simm.s32 @!p2 $0x0  }
0x1d: {  	s5 =	simm.s32 @p1 $0x1;
	p0 =	seq.s32 s7, s2  }
0x1e: {  	s7 =	smul.u32 @!p0 $0xF7A, s2;
	p2 =	seq.s32 @!p0 s5, $0x0  }
0x1f: {  	s9 =	smul.u32 $0xF7A, s1;
	s8 =	simm.s32 @!p0 $0x1BF5;
	p2 =	por !p2, p0  }
0x20: {  	[sflag:s8] =	ssyncset.s32 @!p0 $0xFFFFF086;
	s6 =	sadd.s32 @!p0 s3, s7;
	s7 =	simm.s32 @!p0 $0x108  }
0x21: {  	s3 =	sadd.s32 s3, s9;
	s6 =	sadd.s32 @!p0 $0x88, s6;
	s7 =	simm.s32 @p2 $0x1082  }
0x22: {  	[simem:s7], [sflag:s8] =	dma.local @!p0 [hbm:s6], $0xF7A  }
0x23: {  	s9 =	sor.u32 $0xD0000000, s2;
	s6 =	simm.s32 $0x108;
	_ =	swait.ge @!p0 [sflag:s8], $0x0  }
0x24: {  	s3 =	sadd.s32 $0x88, s3;
	s6 =	simm.s32 @!p1 $0x1082;
	[sflag:s4] =	ssyncset.s32 $0xFFFFF086  }
0x25: {  	[simem:s6], [sflag:s4] =	dma.local [hbm:s3], $0xF7A  }
0x26: {  	[smem:$0x3F9B] =	sst s1;
	(tag) =	ssettag s2;
	_ =	strace s9  }
0x27: {  	s1 =	sld [smem:$0x3FAB]  }
0x28: {  	s2 =	sld [smem:$0x3FAC]  }
0x29: {  	s4 =	sld [smem:$0x3FAE]  }
0x2a: {  	p0 =	seq.s32 s5, $0x0;
	s5 =	sld [smem:$0x3FAF]  }
0x2b: {  	s6 =	sld [smem:$0x3FB0]  }
0x2c: {  	s7 =	sld [smem:$0x3FB1]  }
0x2d: {  	s3 =	simm.s32 $0x108;
	s8 =	sld [smem:$0x3FB2]  }
0x2e: {  	s3 =	simm.s32 @!p0 $0x1082;
	s9 =	sld [smem:$0x3FB3]  }
0x2f: {  	lr =	sadd.s32 s0, s3;
	s0 =	sld [smem:$0x3FAA]  }
0x30: {  	s3 =	sld [smem:$0x3FAD]  }
0x31: {  	[smem:$0x3FB6] =	sst s10  }
0x32: {  	s10 =	sld [smem:$0x3FB4];
	_ =	sdelay $0x3  }
0x33: {  	p0 =	seq.s32 s10, $0x1;
	s10 =	sld [smem:$0x3FB6];
	_ =	sdelay $0x3  }
0x34: {  	[smem:$0x3FB6] =	sst s10  }
0x35: {  	s10 =	sld [smem:$0x3FB5];
	_ =	sdelay $0x3  }
0x36: {  	p1 =	seq.s32 s10, $0x1;
	s10 =	sld [smem:$0x3FB6];
	_ =	sdelay $0x3  }
0x37: {  	[smem:$0x3FB6] =	sst s10  }
0x38: {  	s10 =	sld [smem:$0x3FB7]  }
0x39: {  	_ = 	snop;
	(pc) =	sbr.ind lr, $3  }
0x3a: {  	_ = 	snop  }
0x3b: {  	_ = 	snop  }
0x3c: {  	p2 =	seq.s32 s10, $0x1;
	s10 =	sld [smem:$0x3FB6]  }
0x3d: {  	_ =	shalt  }
0x3e: {  	_ =	shalt  }
0x3f: {  	_ =	shalt  }
0x40: {  	_ =	shalt  }
0x41: {  	_ =	shalt  }
0x42: {  	_ =	shalt  }
0x43: {  	_ =	shalt  }
0x44: {  	_ =	shalt  }
0x45: {  	_ =	shalt  }
0x46: {  	_ =	shalt  }
0x47: {  	_ =	shalt  }
0x48: {  	_ =	shalt  }
0x49: {  	_ =	shalt  }
0x4a: {  	_ =	shalt  }
0x4b: {  	_ =	shalt  }
0x4c: {  	_ =	shalt  }
0x4d: {  	_ =	shalt  }
0x4e: {  	_ =	shalt  }
0x4f: {  	_ =	shalt  }
0x50: {  	_ =	shalt  }
0x51: {  	_ =	shalt  }
0x52: {  	_ =	shalt  }
0x53: {  	_ =	shalt  }
0x54: {  	_ =	shalt  }
0x55: {  	_ =	shalt  }
0x56: {  	_ =	shalt  }
0x57: {  	_ =	shalt  }
0x58: {  	_ =	shalt  }
0x59: {  	_ =	shalt  }
0x5a: {  	_ =	shalt  }
0x5b: {  	_ =	shalt  }
0x5c: {  	_ =	shalt  }
0x5d: {  	_ =	shalt  }
0x5e: {  	_ =	shalt  }
0x5f: {  	_ =	shalt  }
0x60: {  	_ =	shalt  }
0x61: {  	_ =	shalt  }
0x62: {  	_ =	shalt  }
0x63: {  	_ =	shalt  }
0x64: {  	_ =	shalt  }
0x65: {  	_ =	shalt  }
0x66: {  	_ =	shalt  }
0x67: {  	_ =	shalt  }
0x68: {  	_ =	shalt  }
0x69: {  	_ =	shalt  }
0x6a: {  	_ =	shalt  }
0x6b: {  	_ =	shalt  }
0x6c: {  	_ =	shalt  }
0x6d: {  	_ =	shalt  }
0x6e: {  	_ =	shalt  }
0x6f: {  	_ =	shalt  }
0x70: {  	_ =	shalt  }
0x71: {  	_ =	shalt  }
0x72: {  	_ =	shalt  }
0x73: {  	_ =	shalt  }
0x74: {  	_ =	shalt  }
0x75: {  	_ =	shalt  }
0x76: {  	_ =	shalt  }
0x77: {  	_ =	shalt  }
0x78: {  	_ =	shalt  }
0x79: {  	_ =	shalt  }
0x7a: {  	_ =	shalt  }
0x7b: {  	_ =	shalt  }
0x7c: {  	_ =	shalt  }
0x7d: {  	_ =	shalt  }
0x7e: {  	_ =	shalt  }
0x7f: {  	_ =	shalt  }
0x80: {  	_ =	shalt  }
0x81: {  	_ =	shalt  }
0x82: {  	_ =	shalt  }
0x83: {  	_ =	shalt  }
0x84: {  	_ =	shalt  }
0x85: {  	_ =	shalt  }
0x86: {  	_ =	shalt  }
0x87: {  	_ =	shalt  }
.Lfunc_end0:
.L_simem_size_0:
called_computation.1_lowered:
.L_overlay_start_0:
0x88: {  	s2 =	sld [smem:$0x3FD9]  }
0x89: {  	s3 =	sld [smem:$0x3FFE];
	_ =	sdelay $0x1  }
0x8a: {  	s1 =	srdreg.scid  }
0x8b: {  	s0 =	sand.u32 $0x1, s1  }
0x8c: {  	s16 =	sshll.u32 s0, $0xA;
	s2 =	sadd.s32 s3, s2  }
0x8d: {  	s2 =	sadd.s32 s2, s16  }
0x8e: {  	[smem:$0x3FC2] =	sst s2  }
0x8f: {  	_ = 	snop  }
0x90: {  	(tm) =	ssettm $0x1  }
0x91: {  	s17 =	sld [smem:$0x3FFB];
	_ =	sdelay $0x3  }
0x92: {  	_ =	strace s17  }
0x93: {  	s2 =	sld [smem:$0x3FFC];
	_ =	sdelay $0x3  }
0x94: {  	_ =	strace s2  }
0x95: {  	s2 =	sld [smem:$0x3FFD];
	_ =	sdelay $0x3  }
0x96: {  	_ =	strace s2  }
0x97: {  	_ =	strace $0x8FFFFFFF  }
0x98: {  	s18 =	sld [smem:$0x3FDB];
	_ =	sdelay $0x1  }
0x99: {  	s19 =	simm.s32 $_scs_section_size  }
0x9a: {  	s4 =	simm.s32 $_size__tile_overlayer_lowered;
	s5 =	simm.s32 $_tile_overlayer_lowered  }
0x9b: {  	s22 =	simm.s32 $0x1BFF;
	s21 =	sshll.u32 s5, $0x1;
	s2 =	sadd.s32 s19, s18  }
0x9c: {  	s6 =	simm.s32 $0x0;
	s20 =	sshll.u32 s4, $0x1;
	s4 =	sadd.s32 s21, s2  }
0x9d: {  	[timem:s6], [sflag:s22] =	dma.local [hbm:s4], s20  }
0x9e: {  	_ =	swait.ge [sflag:s22], s20  }
0x9f: {  	s3 =	ssub.s32 $0x0, s20;
	[sflag:s22] =	ssyncset.done $0x0  }
0xa0: {  	[sflag:s22] =	ssyncadd.s32 s3;
	_ =	sdelay $0x1  }
0xa1: {  	s23 =	simm.s32 $0x1B8B  }
0xa2: {  	_ =	swait.ge [sflag:s23], $0x1  }
0xa3: {  	[sflag:s23] =	ssyncset.done $0x0  }
0xa4: {  	s25 =	simm.s32 $0x1B8E;
	s24 =	sld [smem:$0x3FFE];
	[sflag:s23] =	ssyncadd.s32 $0xFFFFFFFF  }
0xa5: {  	s26 =	simm.s32 $execute0_lowered;
	[smem:$0x3FD2] =	sst s25  }
0xa6: {  	s4 =	sshll.u32 s26, $0x1;
	_ =	strace $0x80000049;
	[dreg:$0x1] =	wrdreg $0xFFFFFFFF  }
0xa7: {  	s28 =	simm.s32 $_size_execute0_lowered;
	s2 =	sadd.s32 s2, s4;
	[dreg:$0x0] =	wrdreg $0x0  }
0xa8: {  	s4 =	sshll.u32 s28, $0x1;
	[dreg:$0x2] =	wrdreg s2  }
0xa9: {  	[dreg:$0x3] =	wrdreg s4  }
0xaa: {  	[dreg:$0x4] =	wrdreg $0xC0  }
0xab: {  	_ =	task [dreg:s6], $0x5FFFF  }
0xac: {  	[dreg:$0x1] =	wrdreg $0xFFFFFFFF  }
0xad: {  	[dreg:$0x0] =	wrdreg $0x60  }
0xae: {  	[dreg:$0x2] =	wrdreg s24  }
0xaf: {  	[dreg:$0x3] =	wrdreg $0x67200  }
0xb0: {  	[dreg:$0x4] =	wrdreg $0x8E300  }
0xb1: {  	[dreg:$0x5] =	wrdreg $0x9  }
0xb2: {  	_ =	task.clear_ibuf [dreg:s6], $0x6FFFF;
	_ =	strace $0x90000049  }
0xb3: {  	s29 =	simm.s32 $0x9;
	_ =	strace $0x8000004B  }
0xb4: {  	_ =	swait.ge [sflag:s29], $0x1  }
0xb5: {  	[sflag:s29] =	ssyncadd.s32 $0xFFFFFFFF  }
0xb6: {  	_ =	strace $0x9000004B  }
0xb7: {  	_ =	sfence  }
0xb8: {  	s30 =	sld [smem:$0x0];
	_ =	sdelay $0x2  }
0xb9: {  	s31 =	sshll.u32 s1, $0xD;
	s1 =	sshrl.u32 s1, $0x2  }
0xba: {  	s3 =	sand.u32 $0x4000, s31;
	s1 =	sadd.s32 s1, s30  }
0xbb: {  	s0 =	sor.u32 s3, s0;
	s1 =	sshll.u32 s1, $0x11  }
0xbc: {  	s0 =	sor.u32 s1, s0  }
0xbd: {  	s0 =	sadd.s32 $0x8F2B, s0  }
0xbe: {  	[sflag:s0] =	ssyncadd.remote.s32 $0x1  }
0xbf: {  	_ =	sfence.sel $0xFFFF  }
0xc0: {  	[dreg:$0x0] =	wrdreg $0xFFFFFFFF;
	(pc) =	sbr.abs _section_cstart, $3  }
0xc1: {  	[dreg:$0x1] =	wrdreg $0xFFFFFFFF  }
0xc2: {  	_ =	task.clear_ibuf [dreg:s6], $0x2FFFF;
	_ =	strace $0x9FFFFFFF  }
0xc3: {  	(tm) =	ssettm $0x7FFFFFFF  }
tec
execute0_lowered:
.L_overlay_start_1:
0x0: {  	(tag) =	ssettag $0x1  }
0x1: {  	s0 =	rddreg [dreg:$0x0]  }
0x2: {  	s1 =	rddreg [dreg:$0x1]  }
0x3: {  	s2 =	rddreg [dreg:$0x2]  }
0x4: {  	s3 =	srdreg.scid;
	s15 =	stileid.u32;
	s21 =	simm.s32 $0x2710  }
0x5: {  	s22 =	simm.s32 $0xC8;
	s23 =	simm.s32 $0x4E20;
	s28 =	simm.s32 $0x3  }
0x6: {  	s29 =	simm.s32 $0x4;
	s31 =	simm.s32 $0x0;
	s6 =	sand.u32 $0x1, s3  }
0x7: {  	s3 =	simm.s32 $0x0;
	s8 =	smul.u32 $0x2700, s15;
	s24 =	sadd.s32 $0xC00, s0  }
0x8: {  	s26 =	sshll.u32 s15, $0x6;
	s18 =	sadd.s32 $0x27000, s1;
	s20 =	sadd.s32 $0x27000, s2  }
0x9: {  	p0 =	sne.s32 s15, $0x0;
	s4 =	sshll.u32 s6, $0x4;
	[smem:$0x7FF] =	sst s3  }
0xa: {  	s9 =	smul.u32 $0x4E20, s6;
	s6 =	ssub.s32 $0x2, s6;
	s18 =	sshrl.u32 @!p0 s18, $0x3  }
0xb: {  	s20 =	sshrl.u32 @!p0 s20, $0x3;
	s5 =	sor.u32 s15, s4;
	_ =	strace $0x8000004A  }
0xc: {  	s10 =	sshrl.u32 s6, $0x1;
	s16 =	sadd.s32 s8, s1;
	s19 =	sadd.s32 s8, s2  }
0xd: {  	s7 =	smul.u32 $0x4E2, s5;
	s5 =	sshrl.u32 s8, $0x3;
	s13 =	sadd.s32 s9, s0  }
0xe: {  	s14 =	ssub.s32 s6, s10;
	s6 =	smov.u32 s24;
	s9 =	sadd.s32 $0xAA00, s0  }
0xf: {  	s10 =	sadd.s32 $0x5A00, s0;
	s15 =	sshrl.u32 s16, $0x3;
	s16 =	simm.s32 $0x5  }
0x10: {  	s17 =	sshrl.u32 @p0 s19, $0x3;
	s19 =	sshrl.u32 @!p0 s19, $0x3;
	s25 =	sadd.s32 s5, s0  }
0x11: {  	s8 =	sadd.s32 s24, s5;
	s13 =	sadd.s32 $0xAC00, s13;
	s14 =	smax.u32 s14, $0x1  }
0x12: {  	s24 =	simm.s32 $0x5AA0;
	s12 =	sadd.s32 s7, s0;
	s30 =	sadd.s32 $0x5C00, s25  }
0x13: {  	s7 =	sor.u32 $0x1C05, s26;
	s25 =	simm.s32 $0x1;
	s26 =	simm.s32 $0x2  }
0x14: {  	[dreg:$0x4] =	wrdreg s30;
	s11 =	sadd.s32 $0x20A00, s12;
	s12 =	sadd.s32 $0x16C00, s12  }
.LBB2_1:
0x15: {  	s0 =	rddreg [dreg:$0x4]  }
0x16: {  	[spmem:s15], [sflag:s7] =	dma.local [hbm:s0], $0x4E0  }
0x17: {  	_ =	swait.ge [sflag:s16], $0x4E0  }
0x18: {  	[sflag:s16] =	ssyncset.done $0x0  }
0x19: {  	s0 =	simm.s32 @p0 $0x5;
	[sflag:s16] =	ssyncadd.s32 $0xFFFFFB20  }
0x1a: {  	[spmem:s17], [sflag:s7] =	dma.local @p0 [hbm:s8], $0x4E0  }
0x1b: {  	_ =	swait.ge @p0 [sflag:s0], $0x4E0  }
0x1c: {  	[sflag:s0] =	ssyncset.done @p0 $0x0  }
0x1d: {  	[sflag:s0] =	ssyncadd.s32 @p0 $0xFFFFFB20;
	s0 =	simm.s32 @!p0 $0x5  }
0x1e: {  	[spmem:s18], [sflag:s7] =	dma.local @!p0 [hbm:s9], $0x20  }
0x1f: {  	_ =	swait.ge @!p0 [sflag:s0], $0x20  }
0x20: {  	[sflag:s0] =	ssyncset.done @!p0 $0x0  }
0x21: {  	[sflag:s0] =	ssyncadd.s32 @!p0 $0xFFFFFFE0  }
0x22: {  	[spmem:s19], [sflag:s7] =	dma.local @!p0 [hbm:s6], $0x4E0  }
0x23: {  	_ =	swait.ge @!p0 [sflag:s0], $0x4E0  }
0x24: {  	[sflag:s0] =	ssyncset.done @!p0 $0x0  }
0x25: {  	[sflag:s0] =	ssyncadd.s32 @!p0 $0xFFFFFB20  }
0x26: {  	[spmem:s20], [sflag:s7] =	dma.local @!p0 [hbm:s10], $0x20  }
0x27: {  	_ =	swait.ge @!p0 [sflag:s0], $0x20  }
0x28: {  	[sflag:s0] =	ssyncset.done @!p0 $0x0  }
0x29: {  	[sflag:s0] =	ssyncadd.s32 @!p0 $0xFFFFFFE0  }
0x2a: {  	[tilespmem:s3], [sflag:$0x5] =	stream.linear.gather [hbm4b:s11+s3], $0x2710, $0x38;
	[tilespmem:$0xB540] =	vst v63  }
0x2b: {  	_ =	swait.ge [sflag:s16], $0x2710  }
0x2c: {  	[sflag:s16] =	ssyncset.done $0x0  }
0x2d: {  	[sflag:s16] =	ssyncadd.s32 $0xFFFFD8F0  }
0x2e: {  	[tilespmem:s21], [sflag:$0x5] =	stream.linear.gather [hbm4b:s12+s3], $0x2710, $0x38;
	[tilespmem:$0xB540] =	vst v63  }
0x2f: {  	_ =	swait.ge [sflag:s16], $0x2710  }
0x30: {  	[sflag:s16] =	ssyncset.done $0x0  }
0x31: {  	[sflag:s16] =	ssyncadd.s32 $0xFFFFD8F0  }
0x32: {  	[bflag:$0x0] =	sbarrier.arrive $0xFFFF  }
0x33: {  	[tilespmem:s23], [sflag:$0x1] =	stream.indirect.gather [spmem:s2], $0x10, s3, s22, $0xb8;
	[tilespmem:$0xB540] =	vst v63  }
0x34: {  	_ = 	snop  }
0x35: {  	[tilespmem:s24], [sflag:$0x2] =	stream.indirect.gather [spmem:s2], $0x10, s22, s22, $0xb8;
	[tilespmem:$0xB540] =	vst v63  }
0x36: {  	_ =	swait.ge [sflag:s25], $0xC80  }
0x37: {  	[sflag:s25] =	ssyncset.done $0x0  }
0x38: {  	[sflag:s25] =	ssyncadd.s32 $0xFFFFF380  }
0x39: {  	[spmem:s1] =	stream.indirect.scatter.add.f32 [tilespmem:s23], [sflag:$0x3], $0x10, s21, s22, $0xb8;
	[tilespmem:$0xB540] =	vst v63  }
0x3a: {  	_ =	swait.ge [sflag:s26], $0xC80  }
0x3b: {  	[sflag:s26] =	ssyncset.done $0x0  }
0x3c: {  	s4 =	simm.s32 $0x27D8;
	[sflag:s26] =	ssyncadd.s32 $0xFFFFF380  }
0x3d: {  	[spmem:s1] =	stream.indirect.scatter.add.f32 [tilespmem:s24], [sflag:$0x4], $0x10, s4, s22, $0xb8;
	[tilespmem:$0xB540] =	vst v63  }
0x3e: {  	_ =	swait.ge [sflag:s28], $0xC80  }
0x3f: {  	[sflag:s28] =	ssyncset.done $0x0  }
0x40: {  	s4 =	simm.s32 $0x190;
	[sflag:s28] =	ssyncadd.s32 $0xFFFFF380  }
0x41: {  	[tilespmem:s23], [sflag:$0x1] =	stream.indirect.gather [spmem:s2], $0x10, s4, s22, $0xb8;
	[tilespmem:$0xB540] =	vst v63  }
0x42: {  	_ =	swait.ge [sflag:s25], $0xC80  }
0x43: {  	[sflag:s25] =	ssyncset.done $0x0  }
0x44: {  	s4 =	simm.s32 $0x28A0;
	[sflag:s25] =	ssyncadd.s32 $0xFFFFF380  }
0x45: {  	[spmem:s1] =	stream.indirect.scatter.add.f32 [tilespmem:s23], [sflag:$0x3], $0x10, s4, s22, $0xb8;
	[tilespmem:$0xB540] =	vst v63  }
0x46: {  	_ =	swait.ge [sflag:s29], $0xC80  }
0x47: {  	[sflag:s29] =	ssyncset.done $0x0  }
0x48: {  	s30 =	simm.s32 $0x258;
	s0 =	simm.s32 $0xFFFF7040;
	[sflag:s29] =	ssyncadd.s32 $0xFFFFF380  }
.LBB2_2:
0x49: {  	[tilespmem:s24], [sflag:$0x2] =	stream.indirect.gather [spmem:s2], $0x10, s30, s22, $0xb8;
	[tilespmem:$0xB540] =	vst v63  }
0x4a: {  	s30 =	smov.u32 s0  }
0x4b: {  	p1 =	sne.s32 s0, $0xFFFFF9C0;
	s0 =	sadd.s32 $0x640, s0;
	_ =	swait.ge [sflag:s26], $0xC80  }
0x4c: {  	s30 =	sshra.s32 s30, $0x2;
	[sflag:s26] =	ssyncset.done $0x0  }
0x4d: {  	s4 =	sadd.s32 $0x4D58, s30;
	[sflag:s26] =	ssyncadd.s32 $0xFFFFF380  }
0x4e: {  	[spmem:s1] =	stream.indirect.scatter.add.f32 [tilespmem:s24], [sflag:$0x4], $0x10, s4, s22, $0xb8;
	[tilespmem:$0xB540] =	vst v63  }
0x4f: {  	_ =	swait.ge [sflag:s28], $0xC80  }
0x50: {  	[sflag:s28] =	ssyncset.done $0x0  }
0x51: {  	s4 =	sadd.s32 $0x2710, s30;
	[sflag:s28] =	ssyncadd.s32 $0xFFFFF380  }
0x52: {  	[tilespmem:s23], [sflag:$0x1] =	stream.indirect.gather [spmem:s2], $0x10, s4, s22, $0xb8;
	[tilespmem:$0xB540] =	vst v63  }
0x53: {  	_ =	swait.ge [sflag:s25], $0xC80  }
0x54: {  	[sflag:s25] =	ssyncset.done $0x0  }
.Ltmp0:
0x55: {  	s4 =	sadd.s32 $0x4E20, s30;
	[sflag:s25] =	ssyncadd.s32 $0xFFFFF380;
	(pc) =	sbr.rel @p1 .LBB2_2-.Ltmp0, $4  }
0x56: {  	[spmem:s1] =	stream.indirect.scatter.add.f32 [tilespmem:s23], [sflag:$0x3], $0x10, s4, s22, $0xb8;
	[tilespmem:$0xB540] =	vst v63  }
0x57: {  	_ =	swait.ge [sflag:s29], $0xC80  }
0x58: {  	[sflag:s29] =	ssyncset.done $0x0  }
0x59: {  	s30 =	sadd.s32 $0x27D8, s30;
	[sflag:s29] =	ssyncadd.s32 $0xFFFFF380  }
0x5a: {  	[tilespmem:s24], [sflag:$0x2] =	stream.indirect.gather [spmem:s2], $0x10, s30, s22, $0xb8;
	[tilespmem:$0xB540] =	vst v63  }
0x5b: {  	_ =	swait.ge [sflag:s26], $0xC80  }
0x5c: {  	[sflag:s26] =	ssyncset.done $0x0  }
0x5d: {  	s0 =	simm.s32 $0x4D58;
	[sflag:s26] =	ssyncadd.s32 $0xFFFFF380  }
0x5e: {  	[spmem:s1] =	stream.indirect.scatter.add.f32 [tilespmem:s24], [sflag:$0x4], $0x10, s0, s22, $0xb8;
	[tilespmem:$0xB540] =	vst v63  }
0x5f: {  	_ =	swait.ge [sflag:s28], $0xC80  }
0x60: {  	[sflag:s28] =	ssyncset.done $0x0  }
0x61: {  	[sflag:s28] =	ssyncadd.s32 $0xFFFFF380  }
0x62: {  	_ =	swait.ge [sflag:s29], $0xC80  }
0x63: {  	[sflag:s29] =	ssyncset.done $0x0  }
0x64: {  	[sflag:s29] =	ssyncadd.s32 $0xFFFFF380  }
0x65: {  	s30 =	sadd.s32 s5, s13;
	[bflag:$0x0] =	sbarrier.arrive $0xFFFF  }
0x66: {  	[hbm:s30], [sflag:s7] =	dma.local [spmem:s15], $0x4E0  }
0x67: {  	_ =	swait.ge [sflag:s16], $0x4E0  }
0x68: {  	s31 =	sadd.s32 $0x1, s31;
	[sflag:s16] =	ssyncset.done $0x0  }
0x69: {  	p1 =	sne.s32 s31, s14;
	s0 =	sadd.s32 @!p0 $0x4E00, s13;
	[sflag:s16] =	ssyncadd.s32 $0xFFFFFB20  }
0x6a: {  	[hbm:s0], [sflag:s7] =	dma.local @!p0 [spmem:s18], $0x20  }
.Ltmp1:
0x6b: {  	_ = 	snop;
	(pc) =	sbr.rel @p1 .LBB2_1-.Ltmp1, $4  }
0x6c: {  	s0 =	simm.s32 @!p0 $0x5  }
0x6d: {  	_ =	swait.ge @!p0 [sflag:s0], $0x20  }
0x6e: {  	[sflag:s0] =	ssyncset.done @!p0 $0x0  }
0x6f: {  	[sflag:s0] =	ssyncadd.s32 @!p0 $0xFFFFFFE0  }
0x70: {  	_ =	sfence.sel $0x180000  }
0x71: {  	[bflag:$0x0] =	sbarrier.arrive $0xFFFF  }
0x72: {  	_ =	strace $0x9000004A  }
0x73: {  	[bflag:$0x2] =	sbarrier.arrive $0xFFFF  }
0x74: {  	s0 =	rddreg [dreg:$0x3]  }
0x75: {  	s0 =	sadd.s32 @!p0 $0x100000, s0  }
0x76: {  	[sflag:s0] =	ssyncadd.tile.s32 @!p0 $0x1;
	_ =	shalt  }
.Lfunc_end2:
_tile_overlayer_lowered:
.L_overlay_start_2:
0x77: {  	(tag) =	ssettag $0x2  }
0x78: {  	s0 =	rddreg [dreg:$0x0];
	s2 =	stileid.u32  }
0x79: {  	s1 =	rddreg [dreg:$0x1];
	p0 =	sne.s32 s2, $0x0  }
0x7a: {  	s3 =	rddreg [dreg:$0x2];
	[bflag:$0x3] =	sbarrier.arrive $0xFFFF;
	s2 =	simm.s32 @!p0 $0x1C05  }
0x7b: {  	[timem:s3], [sflag:s2] =	dma.local @!p0 [hbm:s0], s1  }
0x7c: {  	s0 =	simm.s32 @!p0 $0x5  }
0x7d: {  	_ =	swait.ge @!p0 [sflag:s0], s1  }
0x7e: {  	s1 =	ssub.s32 @!p0 $0x0, s1;
	[sflag:s0] =	ssyncset.done @!p0 $0x0  }
0x7f: {  	[sflag:s0] =	ssyncadd.s32 @!p0 s1  }
0x80: {  	[bflag:$0x3] =	sbarrier.arrive $0xFFFF  }
0x81: {  	_ =	shalt  }

// kernel: kernel.7.cloned.1.call-start
scs
__scs_entry_jumppad:
0x0: {  	(pc) =	sbr.rel $0x88, $3  }
0x1: {  	(tag) =	ssettag $0x0;
	lr =	simm.s32 $0x1  }
0x2: {  	[smem:$0x3F9B] =	sst lr;
	_ =	strace $0xD0000000  }
0x3: {  	_ = 	snop  }
0x4: {  	_ = 	snop  }
0x5: {  	_ = 	snop  }
0x6: {  	_ = 	snop  }
0x7: {  	_ = 	snop  }
__scs_overlays_trampoline_lowered:
0x8: {  	[smem:$0x3FAA] =	sst s0  }
0x9: {  	[smem:$0x3FAB] =	sst s1  }
0xa: {  	[smem:$0x3FAC] =	sst s2  }
0xb: {  	[smem:$0x3FAD] =	sst s3  }
0xc: {  	[smem:$0x3FAE] =	sst s4  }
0xd: {  	[smem:$0x3FAF] =	sst s5  }
0xe: {  	[smem:$0x3FB0] =	sst s6  }
0xf: {  	[smem:$0x3FB1] =	sst s7  }
0x10: {  	[smem:$0x3FB2] =	sst s8  }
0x11: {  	[smem:$0x3FB3] =	sst s9;
	s0 =	simm.s32 @!p0 $0x0  }
0x12: {  	s1 =	sld [smem:$0x3F99];
	s0 =	simm.s32 @p0 $0x1  }
0x13: {  	[smem:$0x3FB4] =	sst s0;
	s0 =	simm.s32 @!p1 $0x0  }
0x14: {  	s2 =	sld [smem:$0x3F98];
	s0 =	simm.s32 @p1 $0x1  }
0x15: {  	[smem:$0x3FB5] =	sst s0;
	s0 =	simm.s32 @!p2 $0x0  }
0x16: {  	s3 =	sld [smem:$0x3FDB];
	s0 =	simm.s32 @p2 $0x1  }
0x17: {  	s4 =	simm.s32 $0x1BF5;
	[smem:$0x3FB7] =	sst s0  }
0x18: {  	s0 =	sld [smem:$0x3F9A];
	_ =	swait.ge [sflag:s4], $0x0  }
0x19: {  	s7 =	sld [smem:$0x3F9B]  }
0x1a: {  	s8 =	sadd.s32 $0xFFFFE003, lr  }
0x1b: {  	s9 =	sadd.s32 $0xFFFFFEF7, lr;
	s5 =	simm.s32 $0xFFFFFFFF;
	p2 =	slt.u32 s8, $0xFFFFF086  }
0x1c: {  	p1 =	slt.u32 s9, $0xF7A;
	s5 =	simm.s32 @!p2 $0x0  }
0x1d: {  	s5 =	simm.s32 @p1 $0x1;
	p0 =	seq.s32 s7, s2  }
0x1e: {  	s7 =	smul.u32 @!p0 $0xF7A, s2;
	p2 =	seq.s32 @!p0 s5, $0x0  }
0x1f: {  	s9 =	smul.u32 $0xF7A, s1;
	s8 =	simm.s32 @!p0 $0x1BF5;
	p2 =	por !p2, p0  }
0x20: {  	[sflag:s8] =	ssyncset.s32 @!p0 $0xFFFFF086;
	s6 =	sadd.s32 @!p0 s3, s7;
	s7 =	simm.s32 @!p0 $0x108  }
0x21: {  	s3 =	sadd.s32 s3, s9;
	s6 =	sadd.s32 @!p0 $0x88, s6;
	s7 =	simm.s32 @p2 $0x1082  }
0x22: {  	[simem:s7], [sflag:s8] =	dma.local @!p0 [hbm:s6], $0xF7A  }
0x23: {  	s9 =	sor.u32 $0xD0000000, s2;
	s6 =	simm.s32 $0x108;
	_ =	swait.ge @!p0 [sflag:s8], $0x0  }
0x24: {  	s3 =	sadd.s32 $0x88, s3;
	s6 =	simm.s32 @!p1 $0x1082;
	[sflag:s4] =	ssyncset.s32 $0xFFFFF086  }
0x25: {  	[simem:s6], [sflag:s4] =	dma.local [hbm:s3], $0xF7A  }
0x26: {  	[smem:$0x3F9B] =	sst s1;
	(tag) =	ssettag s2;
	_ =	strace s9  }
0x27: {  	s1 =	sld [smem:$0x3FAB]  }
0x28: {  	s2 =	sld [smem:$0x3FAC]  }
0x29: {  	s4 =	sld [smem:$0x3FAE]  }
0x2a: {  	p0 =	seq.s32 s5, $0x0;
	s5 =	sld [smem:$0x3FAF]  }
0x2b: {  	s6 =	sld [smem:$0x3FB0]  }
0x2c: {  	s7 =	sld [smem:$0x3FB1]  }
0x2d: {  	s3 =	simm.s32 $0x108;
	s8 =	sld [smem:$0x3FB2]  }
0x2e: {  	s3 =	simm.s32 @!p0 $0x1082;
	s9 =	sld [smem:$0x3FB3]  }
0x2f: {  	lr =	sadd.s32 s0, s3;
	s0 =	sld [smem:$0x3FAA]  }
0x30: {  	s3 =	sld [smem:$0x3FAD]  }
0x31: {  	[smem:$0x3FB6] =	sst s10  }
0x32: {  	s10 =	sld [smem:$0x3FB4];
	_ =	sdelay $0x3  }
0x33: {  	p0 =	seq.s32 s10, $0x1;
	s10 =	sld [smem:$0x3FB6];
	_ =	sdelay $0x3  }
0x34: {  	[smem:$0x3FB6] =	sst s10  }
0x35: {  	s10 =	sld [smem:$0x3FB5];
	_ =	sdelay $0x3  }
0x36: {  	p1 =	seq.s32 s10, $0x1;
	s10 =	sld [smem:$0x3FB6];
	_ =	sdelay $0x3  }
0x37: {  	[smem:$0x3FB6] =	sst s10  }
0x38: {  	s10 =	sld [smem:$0x3FB7]  }
0x39: {  	_ = 	snop;
	(pc) =	sbr.ind lr, $3  }
0x3a: {  	_ = 	snop  }
0x3b: {  	_ = 	snop  }
0x3c: {  	p2 =	seq.s32 s10, $0x1;
	s10 =	sld [smem:$0x3FB6]  }
0x3d: {  	_ =	shalt  }
0x3e: {  	_ =	shalt  }
0x3f: {  	_ =	shalt  }
0x40: {  	_ =	shalt  }
0x41: {  	_ =	shalt  }
0x42: {  	_ =	shalt  }
0x43: {  	_ =	shalt  }
0x44: {  	_ =	shalt  }
0x45: {  	_ =	shalt  }
0x46: {  	_ =	shalt  }
0x47: {  	_ =	shalt  }
0x48: {  	_ =	shalt  }
0x49: {  	_ =	shalt  }
0x4a: {  	_ =	shalt  }
0x4b: {  	_ =	shalt  }
0x4c: {  	_ =	shalt  }
0x4d: {  	_ =	shalt  }
0x4e: {  	_ =	shalt  }
0x4f: {  	_ =	shalt  }
0x50: {  	_ =	shalt  }
0x51: {  	_ =	shalt  }
0x52: {  	_ =	shalt  }
0x53: {  	_ =	shalt  }
0x54: {  	_ =	shalt  }
0x55: {  	_ =	shalt  }
0x56: {  	_ =	shalt  }
0x57: {  	_ =	shalt  }
0x58: {  	_ =	shalt  }
0x59: {  	_ =	shalt  }
0x5a: {  	_ =	shalt  }
0x5b: {  	_ =	shalt  }
0x5c: {  	_ =	shalt  }
0x5d: {  	_ =	shalt  }
0x5e: {  	_ =	shalt  }
0x5f: {  	_ =	shalt  }
0x60: {  	_ =	shalt  }
0x61: {  	_ =	shalt  }
0x62: {  	_ =	shalt  }
0x63: {  	_ =	shalt  }
0x64: {  	_ =	shalt  }
0x65: {  	_ =	shalt  }
0x66: {  	_ =	shalt  }
0x67: {  	_ =	shalt  }
0x68: {  	_ =	shalt  }
0x69: {  	_ =	shalt  }
0x6a: {  	_ =	shalt  }
0x6b: {  	_ =	shalt  }
0x6c: {  	_ =	shalt  }
0x6d: {  	_ =	shalt  }
0x6e: {  	_ =	shalt  }
0x6f: {  	_ =	shalt  }
0x70: {  	_ =	shalt  }
0x71: {  	_ =	shalt  }
0x72: {  	_ =	shalt  }
0x73: {  	_ =	shalt  }
0x74: {  	_ =	shalt  }
0x75: {  	_ =	shalt  }
0x76: {  	_ =	shalt  }
0x77: {  	_ =	shalt  }
0x78: {  	_ =	shalt  }
0x79: {  	_ =	shalt  }
0x7a: {  	_ =	shalt  }
0x7b: {  	_ =	shalt  }
0x7c: {  	_ =	shalt  }
0x7d: {  	_ =	shalt  }
0x7e: {  	_ =	shalt  }
0x7f: {  	_ =	shalt  }
0x80: {  	_ =	shalt  }
0x81: {  	_ =	shalt  }
0x82: {  	_ =	shalt  }
0x83: {  	_ =	shalt  }
0x84: {  	_ =	shalt  }
0x85: {  	_ =	shalt  }
0x86: {  	_ =	shalt  }
0x87: {  	_ =	shalt  }
.Lfunc_end0:
.L_simem_size_0:
called_computation_lowered:
.L_overlay_start_0:
0x88: {  	s2 =	sld [smem:$0x3FD9]  }
0x89: {  	s3 =	sld [smem:$0x3FFE];
	_ =	sdelay $0x1  }
0x8a: {  	s1 =	srdreg.scid  }
0x8b: {  	s0 =	sand.u32 $0x1, s1  }
0x8c: {  	s16 =	sshll.u32 s0, $0xA;
	s2 =	sadd.s32 s3, s2  }
0x8d: {  	s2 =	sadd.s32 s2, s16  }
0x8e: {  	[smem:$0x3FC2] =	sst s2  }
0x8f: {  	_ = 	snop  }
0x90: {  	(tm) =	ssettm $0x1  }
0x91: {  	s17 =	sld [smem:$0x3FFB];
	_ =	sdelay $0x3  }
0x92: {  	_ =	strace s17  }
0x93: {  	s2 =	sld [smem:$0x3FFC];
	_ =	sdelay $0x3  }
0x94: {  	_ =	strace s2  }
0x95: {  	s2 =	sld [smem:$0x3FFD];
	_ =	sdelay $0x3  }
0x96: {  	_ =	strace s2  }
0x97: {  	_ =	strace $0x8FFFFFFF  }
0x98: {  	s18 =	sld [smem:$0x3FDB];
	_ =	sdelay $0x1  }
0x99: {  	s19 =	simm.s32 $_scs_section_size  }
0x9a: {  	s4 =	simm.s32 $_size__tile_overlayer_lowered;
	s5 =	simm.s32 $_tile_overlayer_lowered  }
0x9b: {  	s22 =	simm.s32 $0x1BFF;
	s21 =	sshll.u32 s5, $0x1;
	s2 =	sadd.s32 s19, s18  }
0x9c: {  	s6 =	simm.s32 $0x0;
	s20 =	sshll.u32 s4, $0x1;
	s4 =	sadd.s32 s21, s2  }
0x9d: {  	[timem:s6], [sflag:s22] =	dma.local [hbm:s4], s20  }
0x9e: {  	_ =	swait.ge [sflag:s22], s20  }
0x9f: {  	s3 =	ssub.s32 $0x0, s20;
	[sflag:s22] =	ssyncset.done $0x0  }
0xa0: {  	[sflag:s22] =	ssyncadd.s32 s3;
	_ =	sdelay $0x1  }
0xa1: {  	s23 =	simm.s32 $0x1B8B  }
0xa2: {  	_ =	swait.ge [sflag:s23], $0x1  }
0xa3: {  	[sflag:s23] =	ssyncset.done $0x0  }
0xa4: {  	s25 =	simm.s32 $0x1B8E;
	s24 =	sld [smem:$0x3FFE];
	[sflag:s23] =	ssyncadd.s32 $0xFFFFFFFF  }
0xa5: {  	s26 =	simm.s32 $execute0_lowered;
	[smem:$0x3FD2] =	sst s25  }
0xa6: {  	s4 =	sshll.u32 s26, $0x1;
	_ =	strace $0x80000046;
	[dreg:$0x1] =	wrdreg $0xFFFFFFFF  }
0xa7: {  	s28 =	simm.s32 $_size_execute0_lowered;
	s2 =	sadd.s32 s2, s4;
	[dreg:$0x0] =	wrdreg $0x0  }
0xa8: {  	s4 =	sshll.u32 s28, $0x1;
	[dreg:$0x2] =	wrdreg s2  }
0xa9: {  	[dreg:$0x3] =	wrdreg s4  }
0xaa: {  	[dreg:$0x4] =	wrdreg $0xC0  }
0xab: {  	_ =	task [dreg:s6], $0x5FFFF  }
0xac: {  	[dreg:$0x1] =	wrdreg $0xFFFFFFFF  }
0xad: {  	[dreg:$0x0] =	wrdreg $0x60  }
0xae: {  	[dreg:$0x2] =	wrdreg s24  }
0xaf: {  	[dreg:$0x3] =	wrdreg $0xBEA00  }
0xb0: {  	[dreg:$0x4] =	wrdreg $0x9  }
0xb1: {  	_ =	task.clear_ibuf [dreg:s6], $0x5FFFF;
	_ =	strace $0x90000046  }
0xb2: {  	s29 =	simm.s32 $0x9;
	_ =	strace $0x80000048  }
0xb3: {  	_ =	swait.ge [sflag:s29], $0x1  }
0xb4: {  	[sflag:s29] =	ssyncadd.s32 $0xFFFFFFFF  }
0xb5: {  	_ =	strace $0x90000048  }
0xb6: {  	_ =	sfence  }
0xb7: {  	s30 =	sld [smem:$0x0];
	_ =	sdelay $0x2  }
0xb8: {  	s31 =	sshll.u32 s1, $0xD;
	s1 =	sshrl.u32 s1, $0x2  }
0xb9: {  	s3 =	sand.u32 $0x4000, s31;
	s1 =	sadd.s32 s1, s30  }
0xba: {  	s0 =	sor.u32 s3, s0;
	s1 =	sshll.u32 s1, $0x11  }
0xbb: {  	s0 =	sor.u32 s1, s0  }
0xbc: {  	s0 =	sadd.s32 $0x8F2B, s0  }
0xbd: {  	[sflag:s0] =	ssyncadd.remote.s32 $0x1  }
0xbe: {  	_ =	sfence.sel $0xFFFF  }
0xbf: {  	[dreg:$0x0] =	wrdreg $0xFFFFFFFF;
	(pc) =	sbr.abs _section_cstart, $3  }
0xc0: {  	[dreg:$0x1] =	wrdreg $0xFFFFFFFF  }
0xc1: {  	_ =	task.clear_ibuf [dreg:s6], $0x2FFFF;
	_ =	strace $0x9FFFFFFF  }
0xc2: {  	(tm) =	ssettm $0x7FFFFFFF  }
0xc3: {  	_ =	shalt  }
tec
execute0_lowered:
.L_overlay_start_1:
0x0: {  	(tag) =	ssettag $0x1  }
0x1: {  	s0 =	srdreg.scid;
	s7 =	rddreg [dreg:$0x0]  }
0x2: {  	s1 =	rddreg [dreg:$0x1];
	s12 =	stileid.u32  }
0x3: {  	s2 =	simm.s32 $0x0;
	s17 =	simm.s32 $0x4E20;
	s18 =	simm.s32 $0x8660  }
0x4: {  	s19 =	simm.s32 $0x1;
	s20 =	simm.s32 $0x2;
	s21 =	simm.s32 $0x3  }
0x5: {  	s22 =	simm.s32 $0x4;
	s4 =	sand.u32 $0x1, s0;
	s0 =	rddreg [dreg:$0x2]  }
0x6: {  	s23 =	simm.s32 $0x4D58;
	s24 =	simm.s32 $0x0;
	[smem:$0x7FF] =	sst s2  }
0x7: {  	s6 =	smul.u32 $0xAF80, s12;
	s31 =	sshll.u32 s12, $0x6;
	s16 =	sadd.s32 $0xAF800, s1  }
0x8: {  	p0 =	sne.s32 s12, $0x0;
	s3 =	sshll.u32 s4, $0x4;
	_ =	strace $0x80000047  }
0x9: {  	s8 =	smul.u32 $0x15F90, s4;
	s9 =	ssub.s32 $0x2, s4;
	s3 =	sor.u32 s12, s3  }
0xa: {  	s4 =	sshrl.u32 s6, $0x3;
	s30 =	sshrl.u32 s9, $0x1;
	s15 =	sadd.s32 s6, s1  }
0xb: {  	s6 =	sor.u32 $0x1C05, s31;
	s5 =	smul.u32 $0x4E2, s3;
	s3 =	sadd.s32 $0xC00, s7  }
0xc: {  	s11 =	sadd.s32 s4, s7;
	s13 =	sadd.s32 s8, s7;
	s14 =	ssub.s32 s9, s30  }
0xd: {  	s12 =	sshrl.u32 s15, $0x3;
	s15 =	simm.s32 $0x2710;
	s10 =	sadd.s32 s5, s7  }
0xe: {  	s5 =	sadd.s32 $0x2A800, s11;
	s7 =	sadd.s32 $0x40700, s7;
	s11 =	smax.u32 s14, $0x1  }
0xf: {  	s14 =	sshrl.u32 @!p0 s16, $0x3;
	s16 =	simm.s32 $0xC8;
	s8 =	sadd.s32 $0x20A00, s10  }
0x10: {  	s9 =	sadd.s32 $0x16C00, s10;
	s10 =	sadd.s32 $0x40800, s13;
	s13 =	simm.s32 $0x5  }
.LBB2_1:
0x11: {  	[spmem:s12], [sflag:s6] =	dma.local [hbm:s5], $0x15F0  }
0x12: {  	_ =	swait.ge [sflag:s13], $0x15F0  }
0x13: {  	[sflag:s13] =	ssyncset.done $0x0  }
0x14: {  	s25 =	simm.s32 @!p0 $0x5;
	[sflag:s13] =	ssyncadd.s32 $0xFFFFEA10  }
0x15: {  	[spmem:s14], [sflag:s6] =	dma.local @!p0 [hbm:s7], $0x90  }
0x16: {  	_ =	swait.ge @!p0 [sflag:s25], $0x90  }
0x17: {  	[sflag:s25] =	ssyncset.done @!p0 $0x0  }
0x18: {  	[sflag:s25] =	ssyncadd.s32 @!p0 $0xFFFFFF70  }
0x19: {  	[tilespmem:s2], [sflag:$0x5] =	stream.linear.gather [hbm4b:s8+s2], $0x2710, $0x38;
	[tilespmem:$0x16E68] =	vst v63  }
0x1a: {  	_ =	swait.ge [sflag:s13], $0x2710  }
0x1b: {  	[sflag:s13] =	ssyncset.done $0x0  }
0x1c: {  	[sflag:s13] =	ssyncadd.s32 $0xFFFFD8F0  }
0x1d: {  	[tilespmem:s15], [sflag:$0x5] =	stream.linear.gather [hbm4b:s9+s2], $0x2710, $0x38;
	[tilespmem:$0x16E68] =	vst v63  }
0x1e: {  	_ =	swait.ge [sflag:s13], $0x2710  }
0x1f: {  	[sflag:s13] =	ssyncset.done $0x0  }
0x20: {  	[sflag:s13] =	ssyncadd.s32 $0xFFFFD8F0  }
0x21: {  	[bflag:$0x0] =	sbarrier.arrive $0xFFFF  }
0x22: {  	[tilespmem:s17], [sflag:$0x1] =	stream.indirect.gather [hbm4b:s3+s16], $0x48, s2, s16, $0xb8;
	[tilespmem:$0x16E68] =	vst v63  }
0x23: {  	_ = 	snop  }
0x24: {  	[tilespmem:s18], [sflag:$0x2] =	stream.indirect.gather [hbm4b:s3+s16], $0x48, s16, s16, $0xb8;
	[tilespmem:$0x16E68] =	vst v63  }
0x25: {  	_ =	swait.ge [sflag:s19], $0x3840  }
0x26: {  	[sflag:s19] =	ssyncset.done $0x0  }
0x27: {  	[sflag:s19] =	ssyncadd.s32 $0xFFFFC7C0  }
0x28: {  	[spmem:s1] =	stream.indirect.scatter.add.f32 [tilespmem:s17], [sflag:$0x3], $0x48, s15, s16, $0xb8;
	[tilespmem:$0x16E68] =	vst v63  }
0x29: {  	_ =	swait.ge [sflag:s20], $0x3840  }
0x2a: {  	[sflag:s20] =	ssyncset.done $0x0  }
0x2b: {  	s29 =	simm.s32 $0x27D8;
	[sflag:s20] =	ssyncadd.s32 $0xFFFFC7C0  }
0x2c: {  	[spmem:s1] =	stream.indirect.scatter.add.f32 [tilespmem:s18], [sflag:$0x4], $0x48, s29, s16, $0xb8;
	[tilespmem:$0x16E68] =	vst v63  }
0x2d: {  	_ =	swait.ge [sflag:s21], $0x3840  }
0x2e: {  	[sflag:s21] =	ssyncset.done $0x0  }
0x2f: {  	s30 =	simm.s32 $0x190;
	[sflag:s21] =	ssyncadd.s32 $0xFFFFC7C0  }
0x30: {  	[tilespmem:s17], [sflag:$0x1] =	stream.indirect.gather [hbm4b:s3+s16], $0x48, s30, s16, $0xb8;
	[tilespmem:$0x16E68] =	vst v63  }
0x31: {  	_ =	swait.ge [sflag:s19], $0x3840  }
0x32: {  	[sflag:s19] =	ssyncset.done $0x0  }
0x33: {  	s31 =	simm.s32 $0x28A0;
	[sflag:s19] =	ssyncadd.s32 $0xFFFFC7C0  }
0x34: {  	[spmem:s1] =	stream.indirect.scatter.add.f32 [tilespmem:s17], [sflag:$0x3], $0x48, s31, s16, $0xb8;
	[tilespmem:$0x16E68] =	vst v63  }
0x35: {  	_ =	swait.ge [sflag:s22], $0x3840  }
0x36: {  	[sflag:s22] =	ssyncset.done $0x0  }
0x37: {  	s26 =	simm.s32 $0x258;
	s25 =	simm.s32 $0xFFFF7040;
	[sflag:s22] =	ssyncadd.s32 $0xFFFFC7C0  }
.LBB2_2:
0x38: {  	[tilespmem:s18], [sflag:$0x2] =	stream.indirect.gather [hbm4b:s3+s16], $0x48, s26, s16, $0xb8;
	[tilespmem:$0x16E68] =	vst v63  }
0x39: {  	s26 =	smov.u32 s25  }
0x3a: {  	p1 =	sne.s32 s25, $0xFFFFF9C0;
	s25 =	sadd.s32 $0x640, s25;
	_ =	swait.ge [sflag:s20], $0x3840  }
0x3b: {  	s26 =	sshra.s32 s26, $0x2;
	[sflag:s20] =	ssyncset.done $0x0  }
0x3c: {  	s28 =	sadd.s32 $0x4D58, s26;
	[sflag:s20] =	ssyncadd.s32 $0xFFFFC7C0  }
0x3d: {  	[spmem:s1] =	stream.indirect.scatter.add.f32 [tilespmem:s18], [sflag:$0x4], $0x48, s28, s16, $0xb8;
	[tilespmem:$0x16E68] =	vst v63  }
0x3e: {  	_ =	swait.ge [sflag:s21], $0x3840  }
0x3f: {  	[sflag:s21] =	ssyncset.done $0x0  }
0x40: {  	s28 =	sadd.s32 $0x2710, s26;
	[sflag:s21] =	ssyncadd.s32 $0xFFFFC7C0  }
0x41: {  	[tilespmem:s17], [sflag:$0x1] =	stream.indirect.gather [hbm4b:s3+s16], $0x48, s28, s16, $0xb8;
	[tilespmem:$0x16E68] =	vst v63  }
0x42: {  	_ =	swait.ge [sflag:s19], $0x3840  }
0x43: {  	[sflag:s19] =	ssyncset.done $0x0  }
.Ltmp0:
0x44: {  	s28 =	sadd.s32 $0x4E20, s26;
	[sflag:s19] =	ssyncadd.s32 $0xFFFFC7C0;
	(pc) =	sbr.rel @p1 .LBB2_2-.Ltmp0, $4  }
0x45: {  	[spmem:s1] =	stream.indirect.scatter.add.f32 [tilespmem:s17], [sflag:$0x3], $0x48, s28, s16, $0xb8;
	[tilespmem:$0x16E68] =	vst v63  }
0x46: {  	_ =	swait.ge [sflag:s22], $0x3840  }
0x47: {  	[sflag:s22] =	ssyncset.done $0x0  }
0x48: {  	s26 =	sadd.s32 $0x27D8, s26;
	[sflag:s22] =	ssyncadd.s32 $0xFFFFC7C0  }
0x49: {  	[tilespmem:s18], [sflag:$0x2] =	stream.indirect.gather [hbm4b:s3+s16], $0x48, s26, s16, $0xb8;
	[tilespmem:$0x16E68] =	vst v63  }
0x4a: {  	_ =	swait.ge [sflag:s20], $0x3840  }
0x4b: {  	[sflag:s20] =	ssyncset.done $0x0  }
0x4c: {  	[sflag:s20] =	ssyncadd.s32 $0xFFFFC7C0  }
0x4d: {  	[spmem:s1] =	stream.indirect.scatter.add.f32 [tilespmem:s18], [sflag:$0x4], $0x48, s23, s16, $0xb8;
	[tilespmem:$0x16E68] =	vst v63  }
0x4e: {  	_ =	swait.ge [sflag:s21], $0x3840  }
0x4f: {  	[sflag:s21] =	ssyncset.done $0x0  }
0x50: {  	[sflag:s21] =	ssyncadd.s32 $0xFFFFC7C0  }
0x51: {  	_ =	swait.ge [sflag:s22], $0x3840  }
0x52: {  	[sflag:s22] =	ssyncset.done $0x0  }
0x53: {  	[sflag:s22] =	ssyncadd.s32 $0xFFFFC7C0  }
0x54: {  	s25 =	sadd.s32 s4, s10;
	[bflag:$0x0] =	sbarrier.arrive $0xFFFF  }
0x55: {  	[hbm:s25], [sflag:s6] =	dma.local [spmem:s12], $0x15F0  }
0x56: {  	_ =	swait.ge [sflag:s13], $0x15F0  }
0x57: {  	s24 =	sadd.s32 $0x1, s24;
	[sflag:s13] =	ssyncset.done $0x0  }
0x58: {  	p1 =	sne.s32 s24, s11;
	s25 =	sadd.s32 @!p0 $0x15F00, s10;
	[sflag:s13] =	ssyncadd.s32 $0xFFFFEA10  }
0x59: {  	[hbm:s25], [sflag:s6] =	dma.local @!p0 [spmem:s14], $0x90  }
.Ltmp1:
0x5a: {  	_ = 	snop;
	(pc) =	sbr.rel @p1 .LBB2_1-.Ltmp1, $4  }
0x5b: {  	s25 =	simm.s32 @!p0 $0x5  }
0x5c: {  	_ =	swait.ge @!p0 [sflag:s25], $0x90  }
0x5d: {  	[sflag:s25] =	ssyncset.done @!p0 $0x0  }
0x5e: {  	[sflag:s25] =	ssyncadd.s32 @!p0 $0xFFFFFF70  }
0x5f: {  	_ =	sfence.sel $0x180000  }
0x60: {  	[bflag:$0x0] =	sbarrier.arrive $0xFFFF  }
0x61: {  	_ =	strace $0x90000047  }
0x62: {  	s0 =	sadd.s32 @!p0 $0x100000, s0;
	[bflag:$0x2] =	sbarrier.arrive $0xFFFF  }
0x63: {  	[sflag:s0] =	ssyncadd.tile.s32 @!p0 $0x1;
	_ =	shalt  }
.Lfunc_end2:
_tile_overlayer_lowered:
.L_overlay_start_2:
0x64: {  	(tag) =	ssettag $0x2  }
0x65: {  	s0 =	rddreg [dreg:$0x0];
	s2 =	stileid.u32  }
0x66: {  	s1 =	rddreg [dreg:$0x1];
	p0 =	sne.s32 s2, $0x0  }
0x67: {  	s3 =	rddreg [dreg:$0x2];
	[bflag:$0x3] =	sbarrier.arrive $0xFFFF;
	s2 =	simm.s32 @!p0 $0x1C05  }
0x68: {  	[timem:s3], [sflag:s2] =	dma.local @!p0 [hbm:s0], s1  }
0x69: {  	s0 =	simm.s32 @!p0 $0x5  }
0x6a: {  	_ =	swait.ge @!p0 [sflag:s0], s1  }
0x6b: {  	s1 =	ssub.s32 @!p0 $0x0, s1;
	[sflag:s0] =	ssyncset.done @!p0 $0x0  }
0x6c: {  	[sflag:s0] =	ssyncadd.s32 @!p0 s1  }
0x6d: {  	[bflag:$0x3] =	sbarrier.arrive $0xFFFF  }
0x6e: {  	_ =	shalt  }

</sc_bundles>
